<compile_context>
chip_gen: v7x
topology: tpu7x:2x2x1
jax: 0.10.2.dev20260603
libtpu: 0.0.44.dev20260713+nightly
codegen_flags: <defaults>
</compile_context>

<pallas_src>
import dataclasses
import functools

import jax
import jax.numpy as jnp
from jax import lax
from jax.experimental import pallas as pl
from jax.experimental.pallas import tpu as pltpu
from jax.experimental.pallas import tpu_sc as plsc

_MARGIN = 0.2
_B = 256
_BIG = 1e30
_NTILES = 16
_ROWS_PER_TILE = _B // _NTILES
_L = 16
_NCHUNKS = _B // _L
_QUARTER = _B * 128
_TILE_Q = _ROWS_PER_TILE * 128


def _tc_dist_body(f_ref, lab_ref, md_ref):
    f = f_ref[...]
    lab = lab_ref[0]
    sq = jnp.sum(f * f, axis=1)
    r = lax.broadcasted_iota(jnp.int32, (_B, 128), 0)
    c0 = lax.broadcasted_iota(jnp.int32, (_B, 128), 1)
    for k in range(2):
        fk = f[128 * k : 128 * (k + 1), :]
        sqk = sq[128 * k : 128 * (k + 1)]
        labk = lab[128 * k : 128 * (k + 1)]
        dotk = lax.dot_general(
            f, fk, (((1,), (1,)), ((), ())), preferred_element_type=jnp.float32
        )
        distk = jnp.maximum(sq[:, None] + sqk[None, :] - 2.0 * dotk, 0.0)
        samek = lab[:, None] == labk[None, :]
        posk = samek & (r != (c0 + 128 * k))
        dpk = jnp.where(posk, distk, -_BIG)
        dnk = jnp.where(samek, _BIG, distk)
        for t in range(_NTILES):
            md_ref[pl.ds((t * 4 + k) * 16, 16), :] = dpk[t * 16 : t * 16 + 16, :]
            md_ref[pl.ds((t * 4 + 2 + k) * 16, 16), :] = dnk[t * 16 : t * 16 + 16, :]


def _tc_dist(features, lab2d):
    return pl.pallas_call(
        _tc_dist_body,
        out_shape=jax.ShapeDtypeStruct((4 * _B, 128), jnp.float32),
    )(features, lab2d)


def _tree_sum(vals):
    while len(vals) > 1:
        nxt = [vals[i] + vals[i + 1] for i in range(0, len(vals) - 1, 2)]
        if len(vals) % 2:
            nxt.append(vals[-1])
        vals = nxt
    return vals[0]


def _sc_triplet_body(md_hbm, out_hbm, md_v, plist_v, st_v, shared_v, all_v, fin_v, sem):
    w = lax.axis_index("s") + lax.axis_index("c") * 0
    pltpu.async_copy(
        md_hbm.at[pl.ds(w * 4 * _TILE_Q, 4 * _TILE_Q)], md_v, sem
    ).wait()

    lanes = jnp.arange(_L, dtype=jnp.int32)

    def anchor_body(ai, carry):
        lacc, cacc = carry
        arow = ai * 128

        pms = []
        for c in range(_NCHUNKS):
            off = (c // 8) * _TILE_Q + (c % 8) * _L
            pms.append(md_v[pl.ds(arow + off, _L)] > -_BIG * 0.5)
        css = [plsc.cumsum(pm.astype(jnp.int32)) for pm in pms]
        pb = jnp.zeros((_L,), jnp.int32)
        for c in range(_NCHUNKS):
            plsc.store_scatter(
                plist_v, [css[c] - 1 + pb], lanes + (c * _L), mask=pms[c]
            )
            pb = pb + plsc.all_reduce_population_count(pms[c])
        num_pos = jnp.max(pb)

        def pos_body(k, acc):
            pv = plsc.load_gather(plist_v, [jnp.full((_L,), k, jnp.int32)])
            goff = (pv >> 7) * _TILE_Q + (pv & 127) + arow
            tv = plsc.load_gather(md_v, [goff]) + _MARGIN
            terms = [
                jnp.maximum(
                    tv
                    - md_v[
                        pl.ds(
                            (2 + c // 8) * _TILE_Q + (c % 8) * _L + arow,
                            _L,
                        )
                    ],
                    0.0,
                )
                for c in range(_NCHUNKS)
            ]
            return acc + _tree_sum(terms)

        lacc = lax.fori_loop(0, num_pos, pos_body, lacc)
        pf = num_pos.astype(jnp.float32)
        return lacc, cacc + pf * (255.0 - pf)

    zero = jnp.zeros((_L,), jnp.float32)
    lacc, cacc = lax.fori_loop(0, _ROWS_PER_TILE, anchor_body, (zero, 0.0))

    st_v[pl.ds(0, _L)] = lacc
    st_v[pl.ds(_L, _L)] = jnp.full((_L,), cacc)
    pltpu.sync_copy(st_v, shared_v.at[pl.ds(w * 2 * _L, 2 * _L)])
    plsc.subcore_barrier()

    @pl.when(w == 0)
    def _finalize():
        pltpu.sync_copy(shared_v, all_v)
        lsums = [all_v[pl.ds(t * 2 * _L, _L)] for t in range(_NTILES)]
        csums = [all_v[pl.ds(t * 2 * _L + _L, _L)] for t in range(_NTILES)]
        total = jnp.full((_L,), jnp.sum(_tree_sum(lsums)))
        cnt = jnp.maximum(jnp.full((_L,), jnp.max(_tree_sum(csums))), 1.0)
        fin_v[...] = jnp.where(lanes == 0, total / cnt, 0.0)
        pltpu.sync_copy(fin_v.at[pl.ds(0, 1)], out_hbm)


def _sc_triplet(md_flat):
    mesh = plsc.VectorSubcoreMesh(core_axis_name="c", subcore_axis_name="s", num_cores=1)
    cp = pltpu.CompilerParams()
    if "needs_layout_passes" in pltpu.CompilerParams.__dataclass_fields__:
        cp = dataclasses.replace(cp, needs_layout_passes=False)
    run = functools.partial(
        pl.kernel,
        out_type=jax.ShapeDtypeStruct((1,), jnp.float32),
        mesh=mesh,
        scratch_types=[
            pltpu.VMEM((4 * _TILE_Q,), jnp.float32),
            pltpu.VMEM((_B,), jnp.int32),
            pltpu.VMEM((2 * _L,), jnp.float32),
            pltpu.VMEM_SHARED((_NTILES * 2 * _L,), jnp.float32),
            pltpu.VMEM((_NTILES * 2 * _L,), jnp.float32),
            pltpu.VMEM((_L,), jnp.float32),
            pltpu.SemaphoreType.DMA,
        ],
        compiler_params=cp,
    )(_sc_triplet_body)
    return run(md_flat)


def kernel(features, label):
    lab2d = label.astype(jnp.int32).reshape(1, _B)
    md = _tc_dist(features, lab2d)
    return _sc_triplet(md.reshape(-1))

# --- scband reference (transcript-rebuilt; emitter-appended) ---
"""Pipeline reference for scband-online-triplet-loss-88948772700362 (READ-ONLY COPY).

The authoritative reference and input builder live on the scoring server;
editing this copy changes nothing except your own understanding.
"""

import jax, jax.numpy as jnp
import numpy as np

# OnlineTripletLoss config (matches init_kwargs):
#   all_triplets=True, positive_type=ALL(0), negative_type=ALL(0),
#   margin_type=HARD(0), margin=0.2, mu=1.0
MARGIN = 0.2


def setup_inputs(seed: int = 0) -> dict:
    key = jax.random.key(seed)
    k1, k2 = jax.random.split(key)
    features = jax.random.normal(k1, (256, 256), dtype=jnp.float32)
    # 64 classes -> ~4 samples per class, guarantees valid (anchor, positive, negative) triplets
    label = jax.random.randint(k2, (256,), 0, 64, dtype=jnp.int32)
    return {"features": features, "label": label}


def reference(features, label):
    # Batch-all online triplet loss with hard margin.
    B = features.shape[0]
    # pairwise squared euclidean distances [B, B]
    sq = jnp.sum(features * features, axis=1)
    dist = sq[:, None] + sq[None, :] - 2.0 * (features @ features.T)
    dist = jnp.maximum(dist, 0.0)
    same = label[:, None] == label[None, :]
    eye = jnp.eye(B, dtype=bool)
    pos_mask = same & (~eye)          # valid anchor-positive pairs
    neg_mask = ~same                  # valid anchor-negative pairs
    # triplet margin term: d(a,p) - d(a,n) + margin, shape [B, B, B] indexed [a, p, n]
    trip = dist[:, :, None] - dist[:, None, :] + MARGIN
    valid = pos_mask[:, :, None] & neg_mask[:, None, :]
    losses = jnp.where(valid, jnp.maximum(trip, 0.0), 0.0)
    num_valid = jnp.maximum(jnp.sum(valid), 1)
    loss = jnp.sum(losses) / num_valid.astype(jnp.float32)
    # module returns a 1-element loss tensor
    return jnp.reshape(loss, (1,))

if __name__ == "__main__":
    import jax
    _d = setup_inputs()
    print(jax.jit(kernel)(*tuple(_d.values())))

</pallas_src>

<mosaic_0001>
#map = affine_map<(d0, d1) -> (0)>
module attributes {stable_mosaic.version = 14 : i64} {
  func.func @_sc_triplet_body(%arg0: i32, %arg1: i32, %arg2: memref<131072xf32, #tpu.memory_space<hbm>>, %arg3: memref<1xf32, #tpu.memory_space<hbm>>, %arg4: memref<8192xf32, #tpu.memory_space<vmem>>, %arg5: memref<256xi32, #tpu.memory_space<vmem>>, %arg6: memref<32xf32, #tpu.memory_space<vmem>>, %arg7: memref<512xf32, #tpu.memory_space<vmem_shared>>, %arg8: memref<512xf32, #tpu.memory_space<vmem>>, %arg9: memref<16xf32, #tpu.memory_space<vmem>>, %arg10: memref<!tpu.dma_semaphore, #tpu.memory_space<semaphore_mem>>) attributes {dimension_semantics = [#tpu.dimension_semantics<core_parallel>, #tpu.dimension_semantics<subcore_parallel>], iteration_bounds = array<i64: 1, 16>, scalar_prefetch = 0 : i64, scratch_operands = 7 : i64, tpu.core_type = #tpu.core_type<sc_vector_subcore>, window_params = [{transform_indices = #map}, {transform_indices = #map}]} {
    %mul3A = arith.constant 0 : i32
    %mul3A_0 = arith.muli %arg0, %mul3A : i32
    %add3A = arith.addi %arg1, %mul3A_0 : i32
    %mul3A_1 = arith.constant 4 : i32
    %mul3A_2 = arith.muli %add3A, %mul3A_1 : i32
    %mul3A_3 = arith.constant 2048 : i32
    %mul3A_4 = arith.muli %mul3A_2, %mul3A_3 : i32
    %dma_start3A = tpu.memref_slice %arg2[%mul3A_4] : memref<131072xf32, #tpu.memory_space<hbm>> -> memref<8192xf32, #tpu.memory_space<hbm>>
    %dma_start3A_5 = tpu.memref_slice %arg2[%mul3A_4] : memref<131072xf32, #tpu.memory_space<hbm>> -> memref<8192xf32, #tpu.memory_space<hbm>>
    tpu.enqueue_dma source(%dma_start3A_5 : memref<8192xf32, #tpu.memory_space<hbm>>) target(%arg4 : memref<8192xf32, #tpu.memory_space<vmem>>) target_semaphore(%arg10 : memref<!tpu.dma_semaphore, #tpu.memory_space<semaphore_mem>>)
    %dma_wait3A = tpu.memref_slice %arg2[%mul3A_4] : memref<131072xf32, #tpu.memory_space<hbm>> -> memref<8192xf32, #tpu.memory_space<hbm>>
    %dma_wait3A_6 = tpu.memref_slice %arg2[%mul3A_4] : memref<131072xf32, #tpu.memory_space<hbm>> -> memref<8192xf32, #tpu.memory_space<hbm>>
    tpu.wait_dma2 semaphore(%arg10 : memref<!tpu.dma_semaphore, #tpu.memory_space<semaphore_mem>>) src(%dma_wait3A_6 : memref<8192xf32, #tpu.memory_space<hbm>>) dst(%arg4 : memref<8192xf32, #tpu.memory_space<vmem>>)
    %iota3A = tpu.iota {dimensions = array<i32: 0>} : vector<16xi32>
    %broadcast_in_dim3A = arith.constant 0.000000e+00 : f32
    %broadcast_in_dim3A_7 = vector.broadcast %broadcast_in_dim3A : f32 to vector<16xf32>
    %scan3A = arith.constant 0.000000e+00 : f32
    %scan3A_8 = arith.constant 0 : i32
    %scan3A_9 = arith.constant 16 : i32
    %scan3A_10 = arith.addi %scan3A_8, %scan3A_9 : i32
    %scan3A_11 = arith.constant 1 : i32
    %scan3A_12:2 = scf.for %scan3A_24 = %scan3A_8 to %scan3A_10 step %scan3A_11 iter_args(%scan3A_25 = %broadcast_in_dim3A_7, %scan3A_26 = %scan3A) -> (vector<16xf32>, f32)  : i32 {
      %mul3A_27 = arith.constant 128 : i32
      %mul3A_28 = arith.muli %scan3A_24, %mul3A_27 : i32
      %add3A_29 = arith.constant 0 : i32
      %add3A_30 = arith.addi %mul3A_28, %add3A_29 : i32
      %get3A = arith.index_cast %add3A_30 : i32 to index
      %get3A_31 = tpu.vector_load %arg4[%get3A] {strides = array<i32>} : memref<8192xf32, #tpu.memory_space<vmem>>, vector<16xf32>,
      %gt3A = arith.constant -5.000000e+29 : f32
      %gt3A_32 = vector.broadcast %gt3A : f32 to vector<16xf32>
      %gt3A_33 = arith.cmpf ogt, %get3A_31, %gt3A_32 : vector<16xf32>
      %add3A_34 = arith.constant 16 : i32
      %add3A_35 = arith.addi %mul3A_28, %add3A_34 : i32
      %get3A_36 = arith.index_cast %add3A_35 : i32 to index
      %get3A_37 = tpu.vector_load %arg4[%get3A_36] {strides = array<i32>} : memref<8192xf32, #tpu.memory_space<vmem>>, vector<16xf32>,
      %gt3A_38 = arith.constant -5.000000e+29 : f32
      %gt3A_39 = vector.broadcast %gt3A_38 : f32 to vector<16xf32>
      %gt3A_40 = arith.cmpf ogt, %get3A_37, %gt3A_39 : vector<16xf32>
      %add3A_41 = arith.constant 32 : i32
      %add3A_42 = arith.addi %mul3A_28, %add3A_41 : i32
      %get3A_43 = arith.index_cast %add3A_42 : i32 to index
      %get3A_44 = tpu.vector_load %arg4[%get3A_43] {strides = array<i32>} : memref<8192xf32, #tpu.memory_space<vmem>>, vector<16xf32>,
      %gt3A_45 = arith.constant -5.000000e+29 : f32
      %gt3A_46 = vector.broadcast %gt3A_45 : f32 to vector<16xf32>
      %gt3A_47 = arith.cmpf ogt, %get3A_44, %gt3A_46 : vector<16xf32>
      %add3A_48 = arith.constant 48 : i32
      %add3A_49 = arith.addi %mul3A_28, %add3A_48 : i32
      %get3A_50 = arith.index_cast %add3A_49 : i32 to index
      %get3A_51 = tpu.vector_load %arg4[%get3A_50] {strides = array<i32>} : memref<8192xf32, #tpu.memory_space<vmem>>, vector<16xf32>,
      %gt3A_52 = arith.constant -5.000000e+29 : f32
      %gt3A_53 = vector.broadcast %gt3A_52 : f32 to vector<16xf32>
      %gt3A_54 = arith.cmpf ogt, %get3A_51, %gt3A_53 : vector<16xf32>
      %add3A_55 = arith.constant 64 : i32
      %add3A_56 = arith.addi %mul3A_28, %add3A_55 : i32
      %get3A_57 = arith.index_cast %add3A_56 : i32 to index
      %get3A_58 = tpu.vector_load %arg4[%get3A_57] {strides = array<i32>} : memref<8192xf32, #tpu.memory_space<vmem>>, vector<16xf32>,
      %gt3A_59 = arith.constant -5.000000e+29 : f32
      %gt3A_60 = vector.broadcast %gt3A_59 : f32 to vector<16xf32>
      %gt3A_61 = arith.cmpf ogt, %get3A_58, %gt3A_60 : vector<16xf32>
      %add3A_62 = arith.constant 80 : i32
      %add3A_63 = arith.addi %mul3A_28, %add3A_62 : i32
      %get3A_64 = arith.index_cast %add3A_63 : i32 to index
      %get3A_65 = tpu.vector_load %arg4[%get3A_64] {strides = array<i32>} : memref<8192xf32, #tpu.memory_space<vmem>>, vector<16xf32>,
      %gt3A_66 = arith.constant -5.000000e+29 : f32
      %gt3A_67 = vector.broadcast %gt3A_66 : f32 to vector<16xf32>
      %gt3A_68 = arith.cmpf ogt, %get3A_65, %gt3A_67 : vector<16xf32>
      %add3A_69 = arith.constant 96 : i32
      %add3A_70 = arith.addi %mul3A_28, %add3A_69 : i32
      %get3A_71 = arith.index_cast %add3A_70 : i32 to index
      %get3A_72 = tpu.vector_load %arg4[%get3A_71] {strides = array<i32>} : memref<8192xf32, #tpu.memory_space<vmem>>, vector<16xf32>,
      %gt3A_73 = arith.constant -5.000000e+29 : f32
      %gt3A_74 = vector.broadcast %gt3A_73 : f32 to vector<16xf32>
      %gt3A_75 = arith.cmpf ogt, %get3A_72, %gt3A_74 : vector<16xf32>
      %add3A_76 = arith.constant 112 : i32
      %add3A_77 = arith.addi %mul3A_28, %add3A_76 : i32
      %get3A_78 = arith.index_cast %add3A_77 : i32 to index
      %get3A_79 = tpu.vector_load %arg4[%get3A_78] {strides = array<i32>} : memref<8192xf32, #tpu.memory_space<vmem>>, vector<16xf32>,
      %gt3A_80 = arith.constant -5.000000e+29 : f32
      %gt3A_81 = vector.broadcast %gt3A_80 : f32 to vector<16xf32>
      %gt3A_82 = arith.cmpf ogt, %get3A_79, %gt3A_81 : vector<16xf32>
      %add3A_83 = arith.constant 2048 : i32
      %add3A_84 = arith.addi %mul3A_28, %add3A_83 : i32
      %get3A_85 = arith.index_cast %add3A_84 : i32 to index
      %get3A_86 = tpu.vector_load %arg4[%get3A_85] {strides = array<i32>} : memref<8192xf32, #tpu.memory_space<vmem>>, vector<16xf32>,
      %gt3A_87 = arith.constant -5.000000e+29 : f32
      %gt3A_88 = vector.broadcast %gt3A_87 : f32 to vector<16xf32>
      %gt3A_89 = arith.cmpf ogt, %get3A_86, %gt3A_88 : vector<16xf32>
      %add3A_90 = arith.constant 2064 : i32
      %add3A_91 = arith.addi %mul3A_28, %add3A_90 : i32
      %get3A_92 = arith.index_cast %add3A_91 : i32 to index
      %get3A_93 = tpu.vector_load %arg4[%get3A_92] {strides = array<i32>} : memref<8192xf32, #tpu.memory_space<vmem>>, vector<16xf32>,
      %gt3A_94 = arith.constant -5.000000e+29 : f32
      %gt3A_95 = vector.broadcast %gt3A_94 : f32 to vector<16xf32>
      %gt3A_96 = arith.cmpf ogt, %get3A_93, %gt3A_95 : vector<16xf32>
      %add3A_97 = arith.constant 2080 : i32
      %add3A_98 = arith.addi %mul3A_28, %add3A_97 : i32
      %get3A_99 = arith.index_cast %add3A_98 : i32 to index
      %get3A_100 = tpu.vector_load %arg4[%get3A_99] {strides = array<i32>} : memref<8192xf32, #tpu.memory_space<vmem>>, vector<16xf32>,
      %gt3A_101 = arith.constant -5.000000e+29 : f32
      %gt3A_102 = vector.broadcast %gt3A_101 : f32 to vector<16xf32>
      %gt3A_103 = arith.cmpf ogt, %get3A_100, %gt3A_102 : vector<16xf32>
      %add3A_104 = arith.constant 2096 : i32
      %add3A_105 = arith.addi %mul3A_28, %add3A_104 : i32
      %get3A_106 = arith.index_cast %add3A_105 : i32 to index
      %get3A_107 = tpu.vector_load %arg4[%get3A_106] {strides = array<i32>} : memref<8192xf32, #tpu.memory_space<vmem>>, vector<16xf32>,
      %gt3A_108 = arith.constant -5.000000e+29 : f32
      %gt3A_109 = vector.broadcast %gt3A_108 : f32 to vector<16xf32>
      %gt3A_110 = arith.cmpf ogt, %get3A_107, %gt3A_109 : vector<16xf32>
      %add3A_111 = arith.constant 2112 : i32
      %add3A_112 = arith.addi %mul3A_28, %add3A_111 : i32
      %get3A_113 = arith.index_cast %add3A_112 : i32 to index
      %get3A_114 = tpu.vector_load %arg4[%get3A_113] {strides = array<i32>} : memref<8192xf32, #tpu.memory_space<vmem>>, vector<16xf32>,
      %gt3A_115 = arith.constant -5.000000e+29 : f32
      %gt3A_116 = vector.broadcast %gt3A_115 : f32 to vector<16xf32>
      %gt3A_117 = arith.cmpf ogt, %get3A_114, %gt3A_116 : vector<16xf32>
      %add3A_118 = arith.constant 2128 : i32
      %add3A_119 = arith.addi %mul3A_28, %add3A_118 : i32
      %get3A_120 = arith.index_cast %add3A_119 : i32 to index
      %get3A_121 = tpu.vector_load %arg4[%get3A_120] {strides = array<i32>} : memref<8192xf32, #tpu.memory_space<vmem>>, vector<16xf32>,
      %gt3A_122 = arith.constant -5.000000e+29 : f32
      %gt3A_123 = vector.broadcast %gt3A_122 : f32 to vector<16xf32>
      %gt3A_124 = arith.cmpf ogt, %get3A_121, %gt3A_123 : vector<16xf32>
      %add3A_125 = arith.constant 2144 : i32
      %add3A_126 = arith.addi %mul3A_28, %add3A_125 : i32
      %get3A_127 = arith.index_cast %add3A_126 : i32 to index
      %get3A_128 = tpu.vector_load %arg4[%get3A_127] {strides = array<i32>} : memref<8192xf32, #tpu.memory_space<vmem>>, vector<16xf32>,
      %gt3A_129 = arith.constant -5.000000e+29 : f32
      %gt3A_130 = vector.broadcast %gt3A_129 : f32 to vector<16xf32>
      %gt3A_131 = arith.cmpf ogt, %get3A_128, %gt3A_130 : vector<16xf32>
      %add3A_132 = arith.constant 2160 : i32
      %add3A_133 = arith.addi %mul3A_28, %add3A_132 : i32
      %get3A_134 = arith.index_cast %add3A_133 : i32 to index
      %get3A_135 = tpu.vector_load %arg4[%get3A_134] {strides = array<i32>} : memref<8192xf32, #tpu.memory_space<vmem>>, vector<16xf32>,
      %gt3A_136 = arith.constant -5.000000e+29 : f32
      %gt3A_137 = vector.broadcast %gt3A_136 : f32 to vector<16xf32>
      %gt3A_138 = arith.cmpf ogt, %get3A_135, %gt3A_137 : vector<16xf32>
      %convert_element_type3A_139 = arith.extui %gt3A_33 : vector<16xi1> to vector<16xi32>
      %broadcast_in_dim3A_140 = arith.constant true
      %broadcast_in_dim3A_141 = vector.broadcast %broadcast_in_dim3A_140 : i1 to vector<16xi1>
      %masked_cumsum3A = tpu.scan <sum>, %convert_element_type3A_139 masked %broadcast_in_dim3A_141 : vector<16xi32>, vector<16xi1> -> vector<16xi32>
      %convert_element_type3A_142 = arith.extui %gt3A_40 : vector<16xi1> to vector<16xi32>
      %broadcast_in_dim3A_143 = arith.constant true
      %broadcast_in_dim3A_144 = vector.broadcast %broadcast_in_dim3A_143 : i1 to vector<16xi1>
      %masked_cumsum3A_145 = tpu.scan <sum>, %convert_element_type3A_142 masked %broadcast_in_dim3A_144 : vector<16xi32>, vector<16xi1> -> vector<16xi32>
      %convert_element_type3A_146 = arith.extui %gt3A_47 : vector<16xi1> to vector<16xi32>
      %broadcast_in_dim3A_147 = arith.constant true
      %broadcast_in_dim3A_148 = vector.broadcast %broadcast_in_dim3A_147 : i1 to vector<16xi1>
      %masked_cumsum3A_149 = tpu.scan <sum>, %convert_element_type3A_146 masked %broadcast_in_dim3A_148 : vector<16xi32>, vector<16xi1> -> vector<16xi32>
      %convert_element_type3A_150 = arith.extui %gt3A_54 : vector<16xi1> to vector<16xi32>
      %broadcast_in_dim3A_151 = arith.constant true
      %broadcast_in_dim3A_152 = vector.broadcast %broadcast_in_dim3A_151 : i1 to vector<16xi1>
      %masked_cumsum3A_153 = tpu.scan <sum>, %convert_element_type3A_150 masked %broadcast_in_dim3A_152 : vector<16xi32>, vector<16xi1> -> vector<16xi32>
      %convert_element_type3A_154 = arith.extui %gt3A_61 : vector<16xi1> to vector<16xi32>
      %broadcast_in_dim3A_155 = arith.constant true
      %broadcast_in_dim3A_156 = vector.broadcast %broadcast_in_dim3A_155 : i1 to vector<16xi1>
      %masked_cumsum3A_157 = tpu.scan <sum>, %convert_element_type3A_154 masked %broadcast_in_dim3A_156 : vector<16xi32>, vector<16xi1> -> vector<16xi32>
      %convert_element_type3A_158 = arith.extui %gt3A_68 : vector<16xi1> to vector<16xi32>
      %broadcast_in_dim3A_159 = arith.constant true
      %broadcast_in_dim3A_160 = vector.broadcast %broadcast_in_dim3A_159 : i1 to vector<16xi1>
      %masked_cumsum3A_161 = tpu.scan <sum>, %convert_element_type3A_158 masked %broadcast_in_dim3A_160 : vector<16xi32>, vector<16xi1> -> vector<16xi32>
      %convert_element_type3A_162 = arith.extui %gt3A_75 : vector<16xi1> to vector<16xi32>
      %broadcast_in_dim3A_163 = arith.constant true
      %broadcast_in_dim3A_164 = vector.broadcast %broadcast_in_dim3A_163 : i1 to vector<16xi1>
      %masked_cumsum3A_165 = tpu.scan <sum>, %convert_element_type3A_162 masked %broadcast_in_dim3A_164 : vector<16xi32>, vector<16xi1> -> vector<16xi32>
      %convert_element_type3A_166 = arith.extui %gt3A_82 : vector<16xi1> to vector<16xi32>
      %broadcast_in_dim3A_167 = arith.constant true
      %broadcast_in_dim3A_168 = vector.broadcast %broadcast_in_dim3A_167 : i1 to vector<16xi1>
      %masked_cumsum3A_169 = tpu.scan <sum>, %convert_element_type3A_166 masked %broadcast_in_dim3A_168 : vector<16xi32>, vector<16xi1> -> vector<16xi32>
      %convert_element_type3A_170 = arith.extui %gt3A_89 : vector<16xi1> to vector<16xi32>
      %broadcast_in_dim3A_171 = arith.constant true
      %broadcast_in_dim3A_172 = vector.broadcast %broadcast_in_dim3A_171 : i1 to vector<16xi1>
      %masked_cumsum3A_173 = tpu.scan <sum>, %convert_element_type3A_170 masked %broadcast_in_dim3A_172 : vector<16xi32>, vector<16xi1> -> vector<16xi32>
      %convert_element_type3A_174 = arith.extui %gt3A_96 : vector<16xi1> to vector<16xi32>
      %broadcast_in_dim3A_175 = arith.constant true
      %broadcast_in_dim3A_176 = vector.broadcast %broadcast_in_dim3A_175 : i1 to vector<16xi1>
      %masked_cumsum3A_177 = tpu.scan <sum>, %convert_element_type3A_174 masked %broadcast_in_dim3A_176 : vector<16xi32>, vector<16xi1> -> vector<16xi32>
      %convert_element_type3A_178 = arith.extui %gt3A_103 : vector<16xi1> to vector<16xi32>
      %broadcast_in_dim3A_179 = arith.constant true
      %broadcast_in_dim3A_180 = vector.broadcast %broadcast_in_dim3A_179 : i1 to vector<16xi1>
      %masked_cumsum3A_181 = tpu.scan <sum>, %convert_element_type3A_178 masked %broadcast_in_dim3A_180 : vector<16xi32>, vector<16xi1> -> vector<16xi32>
      %convert_element_type3A_182 = arith.extui %gt3A_110 : vector<16xi1> to vector<16xi32>
      %broadcast_in_dim3A_183 = arith.constant true
      %broadcast_in_dim3A_184 = vector.broadcast %broadcast_in_dim3A_183 : i1 to vector<16xi1>
      %masked_cumsum3A_185 = tpu.scan <sum>, %convert_element_type3A_182 masked %broadcast_in_dim3A_184 : vector<16xi32>, vector<16xi1> -> vector<16xi32>
      %convert_element_type3A_186 = arith.extui %gt3A_117 : vector<16xi1> to vector<16xi32>
      %broadcast_in_dim3A_187 = arith.constant true
      %broadcast_in_dim3A_188 = vector.broadcast %broadcast_in_dim3A_187 : i1 to vector<16xi1>
      %masked_cumsum3A_189 = tpu.scan <sum>, %convert_element_type3A_186 masked %broadcast_in_dim3A_188 : vector<16xi32>, vector<16xi1> -> vector<16xi32>
      %convert_element_type3A_190 = arith.extui %gt3A_124 : vector<16xi1> to vector<16xi32>
      %broadcast_in_dim3A_191 = arith.constant true
      %broadcast_in_dim3A_192 = vector.broadcast %broadcast_in_dim3A_191 : i1 to vector<16xi1>
      %masked_cumsum3A_193 = tpu.scan <sum>, %convert_element_type3A_190 masked %broadcast_in_dim3A_192 : vector<16xi32>, vector<16xi1> -> vector<16xi32>
      %convert_element_type3A_194 = arith.extui %gt3A_131 : vector<16xi1> to vector<16xi32>
      %broadcast_in_dim3A_195 = arith.constant true
      %broadcast_in_dim3A_196 = vector.broadcast %broadcast_in_dim3A_195 : i1 to vector<16xi1>
      %masked_cumsum3A_197 = tpu.scan <sum>, %convert_element_type3A_194 masked %broadcast_in_dim3A_196 : vector<16xi32>, vector<16xi1> -> vector<16xi32>
      %convert_element_type3A_198 = arith.extui %gt3A_138 : vector<16xi1> to vector<16xi32>
      %broadcast_in_dim3A_199 = arith.constant true
      %broadcast_in_dim3A_200 = vector.broadcast %broadcast_in_dim3A_199 : i1 to vector<16xi1>
      %masked_cumsum3A_201 = tpu.scan <sum>, %convert_element_type3A_198 masked %broadcast_in_dim3A_200 : vector<16xi32>, vector<16xi1> -> vector<16xi32>
      %broadcast_in_dim3A_202 = arith.constant 0 : i32
      %broadcast_in_dim3A_203 = vector.broadcast %broadcast_in_dim3A_202 : i32 to vector<16xi32>
      %sub3A = arith.constant 1 : i32
      %sub3A_204 = vector.broadcast %sub3A : i32 to vector<16xi32>
      %sub3A_205 = arith.subi %masked_cumsum3A, %sub3A_204 : vector<16xi32>
      %add3A_206 = arith.addi %sub3A_205, %broadcast_in_dim3A_203 : vector<16xi32>
      %add3A_207 = arith.constant 0 : i32
      %add3A_208 = vector.broadcast %add3A_207 : i32 to vector<16xi32>
      %add3A_209 = arith.addi %iota3A, %add3A_208 : vector<16xi32>
      tpu.vector_store_idx %arg5[%add3A_206], %add3A_209 masked %gt3A_33 : memref<256xi32, #tpu.memory_space<vmem>>[vector<16xi32>], vector<16xi32>, vector<16xi1>
      %all_reduce_population_count3A = tpu.all_reduce %gt3A_33 {dim = 0 : i64, kind = #tpu.reduction_kind<sum>} : vector<16xi1> -> vector<16xi32>
      %add3A_210 = arith.addi %broadcast_in_dim3A_203, %all_reduce_population_count3A : vector<16xi32>
      %sub3A_211 = arith.constant 1 : i32
      %sub3A_212 = vector.broadcast %sub3A_211 : i32 to vector<16xi32>
      %sub3A_213 = arith.subi %masked_cumsum3A_145, %sub3A_212 : vector<16xi32>
      %add3A_214 = arith.addi %sub3A_213, %add3A_210 : vector<16xi32>
      %add3A_215 = arith.constant 16 : i32
      %add3A_216 = vector.broadcast %add3A_215 : i32 to vector<16xi32>
      %add3A_217 = arith.addi %iota3A, %add3A_216 : vector<16xi32>
      tpu.vector_store_idx %arg5[%add3A_214], %add3A_217 masked %gt3A_40 : memref<256xi32, #tpu.memory_space<vmem>>[vector<16xi32>], vector<16xi32>, vector<16xi1>
      %all_reduce_population_count3A_218 = tpu.all_reduce %gt3A_40 {dim = 0 : i64, kind = #tpu.reduction_kind<sum>} : vector<16xi1> -> vector<16xi32>
      %add3A_219 = arith.addi %add3A_210, %all_reduce_population_count3A_218 : vector<16xi32>
      %sub3A_220 = arith.constant 1 : i32
      %sub3A_221 = vector.broadcast %sub3A_220 : i32 to vector<16xi32>
      %sub3A_222 = arith.subi %masked_cumsum3A_149, %sub3A_221 : vector<16xi32>
      %add3A_223 = arith.addi %sub3A_222, %add3A_219 : vector<16xi32>
      %add3A_224 = arith.constant 32 : i32
      %add3A_225 = vector.broadcast %add3A_224 : i32 to vector<16xi32>
      %add3A_226 = arith.addi %iota3A, %add3A_225 : vector<16xi32>
      tpu.vector_store_idx %arg5[%add3A_223], %add3A_226 masked %gt3A_47 : memref<256xi32, #tpu.memory_space<vmem>>[vector<16xi32>], vector<16xi32>, vector<16xi1>
      %all_reduce_population_count3A_227 = tpu.all_reduce %gt3A_47 {dim = 0 : i64, kind = #tpu.reduction_kind<sum>} : vector<16xi1> -> vector<16xi32>
      %add3A_228 = arith.addi %add3A_219, %all_reduce_population_count3A_227 : vector<16xi32>
      %sub3A_229 = arith.constant 1 : i32
      %sub3A_230 = vector.broadcast %sub3A_229 : i32 to vector<16xi32>
      %sub3A_231 = arith.subi %masked_cumsum3A_153, %sub3A_230 : vector<16xi32>
      %add3A_232 = arith.addi %sub3A_231, %add3A_228 : vector<16xi32>
      %add3A_233 = arith.constant 48 : i32
      %add3A_234 = vector.broadcast %add3A_233 : i32 to vector<16xi32>
      %add3A_235 = arith.addi %iota3A, %add3A_234 : vector<16xi32>
      tpu.vector_store_idx %arg5[%add3A_232], %add3A_235 masked %gt3A_54 : memref<256xi32, #tpu.memory_space<vmem>>[vector<16xi32>], vector<16xi32>, vector<16xi1>
      %all_reduce_population_count3A_236 = tpu.all_reduce %gt3A_54 {dim = 0 : i64, kind = #tpu.reduction_kind<sum>} : vector<16xi1> -> vector<16xi32>
      %add3A_237 = arith.addi %add3A_228, %all_reduce_population_count3A_236 : vector<16xi32>
      %sub3A_238 = arith.constant 1 : i32
      %sub3A_239 = vector.broadcast %sub3A_238 : i32 to vector<16xi32>
      %sub3A_240 = arith.subi %masked_cumsum3A_157, %sub3A_239 : vector<16xi32>
      %add3A_241 = arith.addi %sub3A_240, %add3A_237 : vector<16xi32>
      %add3A_242 = arith.constant 64 : i32
      %add3A_243 = vector.broadcast %add3A_242 : i32 to vector<16xi32>
      %add3A_244 = arith.addi %iota3A, %add3A_243 : vector<16xi32>
      tpu.vector_store_idx %arg5[%add3A_241], %add3A_244 masked %gt3A_61 : memref<256xi32, #tpu.memory_space<vmem>>[vector<16xi32>], vector<16xi32>, vector<16xi1>
      %all_reduce_population_count3A_245 = tpu.all_reduce %gt3A_61 {dim = 0 : i64, kind = #tpu.reduction_kind<sum>} : vector<16xi1> -> vector<16xi32>
      %add3A_246 = arith.addi %add3A_237, %all_reduce_population_count3A_245 : vector<16xi32>
      %sub3A_247 = arith.constant 1 : i32
      %sub3A_248 = vector.broadcast %sub3A_247 : i32 to vector<16xi32>
      %sub3A_249 = arith.subi %masked_cumsum3A_161, %sub3A_248 : vector<16xi32>
      %add3A_250 = arith.addi %sub3A_249, %add3A_246 : vector<16xi32>
      %add3A_251 = arith.constant 80 : i32
      %add3A_252 = vector.broadcast %add3A_251 : i32 to vector<16xi32>
      %add3A_253 = arith.addi %iota3A, %add3A_252 : vector<16xi32>
      tpu.vector_store_idx %arg5[%add3A_250], %add3A_253 masked %gt3A_68 : memref<256xi32, #tpu.memory_space<vmem>>[vector<16xi32>], vector<16xi32>, vector<16xi1>
      %all_reduce_population_count3A_254 = tpu.all_reduce %gt3A_68 {dim = 0 : i64, kind = #tpu.reduction_kind<sum>} : vector<16xi1> -> vector<16xi32>
      %add3A_255 = arith.addi %add3A_246, %all_reduce_population_count3A_254 : vector<16xi32>
      %sub3A_256 = arith.constant 1 : i32
      %sub3A_257 = vector.broadcast %sub3A_256 : i32 to vector<16xi32>
      %sub3A_258 = arith.subi %masked_cumsum3A_165, %sub3A_257 : vector<16xi32>
      %add3A_259 = arith.addi %sub3A_258, %add3A_255 : vector<16xi32>
      %add3A_260 = arith.constant 96 : i32
      %add3A_261 = vector.broadcast %add3A_260 : i32 to vector<16xi32>
      %add3A_262 = arith.addi %iota3A, %add3A_261 : vector<16xi32>
      tpu.vector_store_idx %arg5[%add3A_259], %add3A_262 masked %gt3A_75 : memref<256xi32, #tpu.memory_space<vmem>>[vector<16xi32>], vector<16xi32>, vector<16xi1>
      %all_reduce_population_count3A_263 = tpu.all_reduce %gt3A_75 {dim = 0 : i64, kind = #tpu.reduction_kind<sum>} : vector<16xi1> -> vector<16xi32>
      %add3A_264 = arith.addi %add3A_255, %all_reduce_population_count3A_263 : vector<16xi32>
      %sub3A_265 = arith.constant 1 : i32
      %sub3A_266 = vector.broadcast %sub3A_265 : i32 to vector<16xi32>
      %sub3A_267 = arith.subi %masked_cumsum3A_169, %sub3A_266 : vector<16xi32>
      %add3A_268 = arith.addi %sub3A_267, %add3A_264 : vector<16xi32>
      %add3A_269 = arith.constant 112 : i32
      %add3A_270 = vector.broadcast %add3A_269 : i32 to vector<16xi32>
      %add3A_271 = arith.addi %iota3A, %add3A_270 : vector<16xi32>
      tpu.vector_store_idx %arg5[%add3A_268], %add3A_271 masked %gt3A_82 : memref<256xi32, #tpu.memory_space<vmem>>[vector<16xi32>], vector<16xi32>, vector<16xi1>
      %all_reduce_population_count3A_272 = tpu.all_reduce %gt3A_82 {dim = 0 : i64, kind = #tpu.reduction_kind<sum>} : vector<16xi1> -> vector<16xi32>
      %add3A_273 = arith.addi %add3A_264, %all_reduce_population_count3A_272 : vector<16xi32>
      %sub3A_274 = arith.constant 1 : i32
      %sub3A_275 = vector.broadcast %sub3A_274 : i32 to vector<16xi32>
      %sub3A_276 = arith.subi %masked_cumsum3A_173, %sub3A_275 : vector<16xi32>
      %add3A_277 = arith.addi %sub3A_276, %add3A_273 : vector<16xi32>
      %add3A_278 = arith.constant 128 : i32
      %add3A_279 = vector.broadcast %add3A_278 : i32 to vector<16xi32>
      %add3A_280 = arith.addi %iota3A, %add3A_279 : vector<16xi32>
      tpu.vector_store_idx %arg5[%add3A_277], %add3A_280 masked %gt3A_89 : memref<256xi32, #tpu.memory_space<vmem>>[vector<16xi32>], vector<16xi32>, vector<16xi1>
      %all_reduce_population_count3A_281 = tpu.all_reduce %gt3A_89 {dim = 0 : i64, kind = #tpu.reduction_kind<sum>} : vector<16xi1> -> vector<16xi32>
      %add3A_282 = arith.addi %add3A_273, %all_reduce_population_count3A_281 : vector<16xi32>
      %sub3A_283 = arith.constant 1 : i32
      %sub3A_284 = vector.broadcast %sub3A_283 : i32 to vector<16xi32>
      %sub3A_285 = arith.subi %masked_cumsum3A_177, %sub3A_284 : vector<16xi32>
      %add3A_286 = arith.addi %sub3A_285, %add3A_282 : vector<16xi32>
      %add3A_287 = arith.constant 144 : i32
      %add3A_288 = vector.broadcast %add3A_287 : i32 to vector<16xi32>
      %add3A_289 = arith.addi %iota3A, %add3A_288 : vector<16xi32>
      tpu.vector_store_idx %arg5[%add3A_286], %add3A_289 masked %gt3A_96 : memref<256xi32, #tpu.memory_space<vmem>>[vector<16xi32>], vector<16xi32>, vector<16xi1>
      %all_reduce_population_count3A_290 = tpu.all_reduce %gt3A_96 {dim = 0 : i64, kind = #tpu.reduction_kind<sum>} : vector<16xi1> -> vector<16xi32>
      %add3A_291 = arith.addi %add3A_282, %all_reduce_population_count3A_290 : vector<16xi32>
      %sub3A_292 = arith.constant 1 : i32
      %sub3A_293 = vector.broadcast %sub3A_292 : i32 to vector<16xi32>
      %sub3A_294 = arith.subi %masked_cumsum3A_181, %sub3A_293 : vector<16xi32>
      %add3A_295 = arith.addi %sub3A_294, %add3A_291 : vector<16xi32>
      %add3A_296 = arith.constant 160 : i32
      %add3A_297 = vector.broadcast %add3A_296 : i32 to vector<16xi32>
      %add3A_298 = arith.addi %iota3A, %add3A_297 : vector<16xi32>
      tpu.vector_store_idx %arg5[%add3A_295], %add3A_298 masked %gt3A_103 : memref<256xi32, #tpu.memory_space<vmem>>[vector<16xi32>], vector<16xi32>, vector<16xi1>
      %all_reduce_population_count3A_299 = tpu.all_reduce %gt3A_103 {dim = 0 : i64, kind = #tpu.reduction_kind<sum>} : vector<16xi1> -> vector<16xi32>
      %add3A_300 = arith.addi %add3A_291, %all_reduce_population_count3A_299 : vector<16xi32>
      %sub3A_301 = arith.constant 1 : i32
      %sub3A_302 = vector.broadcast %sub3A_301 : i32 to vector<16xi32>
      %sub3A_303 = arith.subi %masked_cumsum3A_185, %sub3A_302 : vector<16xi32>
      %add3A_304 = arith.addi %sub3A_303, %add3A_300 : vector<16xi32>
      %add3A_305 = arith.constant 176 : i32
      %add3A_306 = vector.broadcast %add3A_305 : i32 to vector<16xi32>
      %add3A_307 = arith.addi %iota3A, %add3A_306 : vector<16xi32>
      tpu.vector_store_idx %arg5[%add3A_304], %add3A_307 masked %gt3A_110 : memref<256xi32, #tpu.memory_space<vmem>>[vector<16xi32>], vector<16xi32>, vector<16xi1>
      %all_reduce_population_count3A_308 = tpu.all_reduce %gt3A_110 {dim = 0 : i64, kind = #tpu.reduction_kind<sum>} : vector<16xi1> -> vector<16xi32>
      %add3A_309 = arith.addi %add3A_300, %all_reduce_population_count3A_308 : vector<16xi32>
      %sub3A_310 = arith.constant 1 : i32
      %sub3A_311 = vector.broadcast %sub3A_310 : i32 to vector<16xi32>
      %sub3A_312 = arith.subi %masked_cumsum3A_189, %sub3A_311 : vector<16xi32>
      %add3A_313 = arith.addi %sub3A_312, %add3A_309 : vector<16xi32>
      %add3A_314 = arith.constant 192 : i32
      %add3A_315 = vector.broadcast %add3A_314 : i32 to vector<16xi32>
      %add3A_316 = arith.addi %iota3A, %add3A_315 : vector<16xi32>
      tpu.vector_store_idx %arg5[%add3A_313], %add3A_316 masked %gt3A_117 : memref<256xi32, #tpu.memory_space<vmem>>[vector<16xi32>], vector<16xi32>, vector<16xi1>
      %all_reduce_population_count3A_317 = tpu.all_reduce %gt3A_117 {dim = 0 : i64, kind = #tpu.reduction_kind<sum>} : vector<16xi1> -> vector<16xi32>
      %add3A_318 = arith.addi %add3A_309, %all_reduce_population_count3A_317 : vector<16xi32>
      %sub3A_319 = arith.constant 1 : i32
      %sub3A_320 = vector.broadcast %sub3A_319 : i32 to vector<16xi32>
      %sub3A_321 = arith.subi %masked_cumsum3A_193, %sub3A_320 : vector<16xi32>
      %add3A_322 = arith.addi %sub3A_321, %add3A_318 : vector<16xi32>
      %add3A_323 = arith.constant 208 : i32
      %add3A_324 = vector.broadcast %add3A_323 : i32 to vector<16xi32>
      %add3A_325 = arith.addi %iota3A, %add3A_324 : vector<16xi32>
      tpu.vector_store_idx %arg5[%add3A_322], %add3A_325 masked %gt3A_124 : memref<256xi32, #tpu.memory_space<vmem>>[vector<16xi32>], vector<16xi32>, vector<16xi1>
      %all_reduce_population_count3A_326 = tpu.all_reduce %gt3A_124 {dim = 0 : i64, kind = #tpu.reduction_kind<sum>} : vector<16xi1> -> vector<16xi32>
      %add3A_327 = arith.addi %add3A_318, %all_reduce_population_count3A_326 : vector<16xi32>
      %sub3A_328 = arith.constant 1 : i32
      %sub3A_329 = vector.broadcast %sub3A_328 : i32 to vector<16xi32>
      %sub3A_330 = arith.subi %masked_cumsum3A_197, %sub3A_329 : vector<16xi32>
      %add3A_331 = arith.addi %sub3A_330, %add3A_327 : vector<16xi32>
      %add3A_332 = arith.constant 224 : i32
      %add3A_333 = vector.broadcast %add3A_332 : i32 to vector<16xi32>
      %add3A_334 = arith.addi %iota3A, %add3A_333 : vector<16xi32>
      tpu.vector_store_idx %arg5[%add3A_331], %add3A_334 masked %gt3A_131 : memref<256xi32, #tpu.memory_space<vmem>>[vector<16xi32>], vector<16xi32>, vector<16xi1>
      %all_reduce_population_count3A_335 = tpu.all_reduce %gt3A_131 {dim = 0 : i64, kind = #tpu.reduction_kind<sum>} : vector<16xi1> -> vector<16xi32>
      %add3A_336 = arith.addi %add3A_327, %all_reduce_population_count3A_335 : vector<16xi32>
      %sub3A_337 = arith.constant 1 : i32
      %sub3A_338 = vector.broadcast %sub3A_337 : i32 to vector<16xi32>
      %sub3A_339 = arith.subi %masked_cumsum3A_201, %sub3A_338 : vector<16xi32>
      %add3A_340 = arith.addi %sub3A_339, %add3A_336 : vector<16xi32>
      %add3A_341 = arith.constant 240 : i32
      %add3A_342 = vector.broadcast %add3A_341 : i32 to vector<16xi32>
      %add3A_343 = arith.addi %iota3A, %add3A_342 : vector<16xi32>
      tpu.vector_store_idx %arg5[%add3A_340], %add3A_343 masked %gt3A_138 : memref<256xi32, #tpu.memory_space<vmem>>[vector<16xi32>], vector<16xi32>, vector<16xi1>
      %all_reduce_population_count3A_344 = tpu.all_reduce %gt3A_138 {dim = 0 : i64, kind = #tpu.reduction_kind<sum>} : vector<16xi1> -> vector<16xi32>
      %add3A_345 = arith.addi %add3A_336, %all_reduce_population_count3A_344 : vector<16xi32>
      %reduce_max3A = arith.constant true
      %reduce_max3A_346 = vector.broadcast %reduce_max3A : i1 to vector<16xi1>
      %reduce_max3A_347 = arith.constant -2147483648 : i32
      %reduce_max3A_348 = vector.broadcast %reduce_max3A_347 : i32 to vector<16xi32>
      %reduce_max3A_349 = arith.xori %add3A_345, %reduce_max3A_348 : vector<16xi32>
      %reduce_max3A_350 = tpu.scan <max>, %reduce_max3A_349 masked %reduce_max3A_346 : vector<16xi32>, vector<16xi1> -> vector<16xi32>
      %reduce_max3A_351 = arith.xori %reduce_max3A_350, %reduce_max3A_348 : vector<16xi32>
      %reduce_max3A_352 = vector.extract %reduce_max3A_351[15] : i32 from vector<16xi32>
      %while3A = arith.constant 0 : i32
      %while3A_353 = arith.subi %reduce_max3A_352, %while3A : i32
      %while3A_354 = arith.addi %while3A, %while3A_353 : i32
      %while3A_355 = arith.constant 1 : i32
      %while3A_356 = arith.divsi %while3A_353, %while3A_355 : i32
      %while3A_357 = arith.muli %while3A_356, %while3A_355 : i32
      %while3A_358 = arith.addi %while3A, %while3A_357 : i32
      %while3A_359 = arith.constant 1 : i32
      %while3A_360 = scf.for %while3A_368 = %while3A to %while3A_358 step %while3A_359 iter_args(%while3A_369 = %scan3A_25) -> (vector<16xf32>)  : i32 {
        %broadcast_in_dim3A_370 = vector.broadcast %while3A_368 : i32 to vector<16xi32>
        %gather3A = tpu.vector_load_idx %arg5[%broadcast_in_dim3A_370] : memref<256xi32, #tpu.memory_space<vmem>>[vector<16xi32>], vector<16xi32>,
        %shift_right_arithmetic3A = arith.constant 7 : i32
        %shift_right_arithmetic3A_371 = vector.broadcast %shift_right_arithmetic3A : i32 to vector<16xi32>
        %shift_right_arithmetic3A_372 = arith.shrsi %gather3A, %shift_right_arithmetic3A_371 : vector<16xi32>
        %mul3A_373 = arith.constant 2048 : i32
        %mul3A_374 = vector.broadcast %mul3A_373 : i32 to vector<16xi32>
        %mul3A_375 = arith.muli %shift_right_arithmetic3A_372, %mul3A_374 : vector<16xi32>
        %and3A = arith.constant 127 : i32
        %and3A_376 = vector.broadcast %and3A : i32 to vector<16xi32>
        %and3A_377 = arith.andi %gather3A, %and3A_376 : vector<16xi32>
        %add3A_378 = arith.addi %mul3A_375, %and3A_377 : vector<16xi32>
        %add3A_379 = vector.broadcast %mul3A_28 : i32 to vector<16xi32>
        %add3A_380 = arith.addi %add3A_378, %add3A_379 : vector<16xi32>
        %gather3A_381 = tpu.vector_load_idx %arg4[%add3A_380] : memref<8192xf32, #tpu.memory_space<vmem>>[vector<16xi32>], vector<16xf32>,
        %add3A_382 = arith.constant 2.000000e-01 : f32
        %add3A_383 = vector.broadcast %add3A_382 : f32 to vector<16xf32>
        %add3A_384 = arith.addf %gather3A_381, %add3A_383 : vector<16xf32>
        %add3A_385 = arith.constant 4096 : i32
        %add3A_386 = arith.addi %add3A_385, %mul3A_28 : i32
        %get3A_387 = arith.index_cast %add3A_386 : i32 to index
        %get3A_388 = tpu.vector_load %arg4[%get3A_387] {strides = array<i32>} : memref<8192xf32, #tpu.memory_space<vmem>>, vector<16xf32>,
        %sub3A_389 = arith.subf %add3A_384, %get3A_388 : vector<16xf32>
        %max3A = arith.constant 0.000000e+00 : f32
        %max3A_390 = vector.broadcast %max3A : f32 to vector<16xf32>
        %max3A_391 = arith.maximumf %sub3A_389, %max3A_390 : vector<16xf32>
        %add3A_392 = arith.constant 4112 : i32
        %add3A_393 = arith.addi %add3A_392, %mul3A_28 : i32
        %get3A_394 = arith.index_cast %add3A_393 : i32 to index
        %get3A_395 = tpu.vector_load %arg4[%get3A_394] {strides = array<i32>} : memref<8192xf32, #tpu.memory_space<vmem>>, vector<16xf32>,
        %sub3A_396 = arith.subf %add3A_384, %get3A_395 : vector<16xf32>
        %max3A_397 = arith.constant 0.000000e+00 : f32
        %max3A_398 = vector.broadcast %max3A_397 : f32 to vector<16xf32>
        %max3A_399 = arith.maximumf %sub3A_396, %max3A_398 : vector<16xf32>
        %add3A_400 = arith.constant 4128 : i32
        %add3A_401 = arith.addi %add3A_400, %mul3A_28 : i32
        %get3A_402 = arith.index_cast %add3A_401 : i32 to index
        %get3A_403 = tpu.vector_load %arg4[%get3A_402] {strides = array<i32>} : memref<8192xf32, #tpu.memory_space<vmem>>, vector<16xf32>,
        %sub3A_404 = arith.subf %add3A_384, %get3A_403 : vector<16xf32>
        %max3A_405 = arith.constant 0.000000e+00 : f32
        %max3A_406 = vector.broadcast %max3A_405 : f32 to vector<16xf32>
        %max3A_407 = arith.maximumf %sub3A_404, %max3A_406 : vector<16xf32>
        %add3A_408 = arith.constant 4144 : i32
        %add3A_409 = arith.addi %add3A_408, %mul3A_28 : i32
        %get3A_410 = arith.index_cast %add3A_409 : i32 to index
        %get3A_411 = tpu.vector_load %arg4[%get3A_410] {strides = array<i32>} : memref<8192xf32, #tpu.memory_space<vmem>>, vector<16xf32>,
        %sub3A_412 = arith.subf %add3A_384, %get3A_411 : vector<16xf32>
        %max3A_413 = arith.constant 0.000000e+00 : f32
        %max3A_414 = vector.broadcast %max3A_413 : f32 to vector<16xf32>
        %max3A_415 = arith.maximumf %sub3A_412, %max3A_414 : vector<16xf32>
        %add3A_416 = arith.constant 4160 : i32
        %add3A_417 = arith.addi %add3A_416, %mul3A_28 : i32
        %get3A_418 = arith.index_cast %add3A_417 : i32 to index
        %get3A_419 = tpu.vector_load %arg4[%get3A_418] {strides = array<i32>} : memref<8192xf32, #tpu.memory_space<vmem>>, vector<16xf32>,
        %sub3A_420 = arith.subf %add3A_384, %get3A_419 : vector<16xf32>
        %max3A_421 = arith.constant 0.000000e+00 : f32
        %max3A_422 = vector.broadcast %max3A_421 : f32 to vector<16xf32>
        %max3A_423 = arith.maximumf %sub3A_420, %max3A_422 : vector<16xf32>
        %add3A_424 = arith.constant 4176 : i32
        %add3A_425 = arith.addi %add3A_424, %mul3A_28 : i32
        %get3A_426 = arith.index_cast %add3A_425 : i32 to index
        %get3A_427 = tpu.vector_load %arg4[%get3A_426] {strides = array<i32>} : memref<8192xf32, #tpu.memory_space<vmem>>, vector<16xf32>,
        %sub3A_428 = arith.subf %add3A_384, %get3A_427 : vector<16xf32>
        %max3A_429 = arith.constant 0.000000e+00 : f32
        %max3A_430 = vector.broadcast %max3A_429 : f32 to vector<16xf32>
        %max3A_431 = arith.maximumf %sub3A_428, %max3A_430 : vector<16xf32>
        %add3A_432 = arith.constant 4192 : i32
        %add3A_433 = arith.addi %add3A_432, %mul3A_28 : i32
        %get3A_434 = arith.index_cast %add3A_433 : i32 to index
        %get3A_435 = tpu.vector_load %arg4[%get3A_434] {strides = array<i32>} : memref<8192xf32, #tpu.memory_space<vmem>>, vector<16xf32>,
        %sub3A_436 = arith.subf %add3A_384, %get3A_435 : vector<16xf32>
        %max3A_437 = arith.constant 0.000000e+00 : f32
        %max3A_438 = vector.broadcast %max3A_437 : f32 to vector<16xf32>
        %max3A_439 = arith.maximumf %sub3A_436, %max3A_438 : vector<16xf32>
        %add3A_440 = arith.constant 4208 : i32
        %add3A_441 = arith.addi %add3A_440, %mul3A_28 : i32
        %get3A_442 = arith.index_cast %add3A_441 : i32 to index
        %get3A_443 = tpu.vector_load %arg4[%get3A_442] {strides = array<i32>} : memref<8192xf32, #tpu.memory_space<vmem>>, vector<16xf32>,
        %sub3A_444 = arith.subf %add3A_384, %get3A_443 : vector<16xf32>
        %max3A_445 = arith.constant 0.000000e+00 : f32
        %max3A_446 = vector.broadcast %max3A_445 : f32 to vector<16xf32>
        %max3A_447 = arith.maximumf %sub3A_444, %max3A_446 : vector<16xf32>
        %add3A_448 = arith.constant 6144 : i32
        %add3A_449 = arith.addi %add3A_448, %mul3A_28 : i32
        %get3A_450 = arith.index_cast %add3A_449 : i32 to index
        %get3A_451 = tpu.vector_load %arg4[%get3A_450] {strides = array<i32>} : memref<8192xf32, #tpu.memory_space<vmem>>, vector<16xf32>,
        %sub3A_452 = arith.subf %add3A_384, %get3A_451 : vector<16xf32>
        %max3A_453 = arith.constant 0.000000e+00 : f32
        %max3A_454 = vector.broadcast %max3A_453 : f32 to vector<16xf32>
        %max3A_455 = arith.maximumf %sub3A_452, %max3A_454 : vector<16xf32>
        %add3A_456 = arith.constant 6160 : i32
        %add3A_457 = arith.addi %add3A_456, %mul3A_28 : i32
        %get3A_458 = arith.index_cast %add3A_457 : i32 to index
        %get3A_459 = tpu.vector_load %arg4[%get3A_458] {strides = array<i32>} : memref<8192xf32, #tpu.memory_space<vmem>>, vector<16xf32>,
        %sub3A_460 = arith.subf %add3A_384, %get3A_459 : vector<16xf32>
        %max3A_461 = arith.constant 0.000000e+00 : f32
        %max3A_462 = vector.broadcast %max3A_461 : f32 to vector<16xf32>
        %max3A_463 = arith.maximumf %sub3A_460, %max3A_462 : vector<16xf32>
        %add3A_464 = arith.constant 6176 : i32
        %add3A_465 = arith.addi %add3A_464, %mul3A_28 : i32
        %get3A_466 = arith.index_cast %add3A_465 : i32 to index
        %get3A_467 = tpu.vector_load %arg4[%get3A_466] {strides = array<i32>} : memref<8192xf32, #tpu.memory_space<vmem>>, vector<16xf32>,
        %sub3A_468 = arith.subf %add3A_384, %get3A_467 : vector<16xf32>
        %max3A_469 = arith.constant 0.000000e+00 : f32
        %max3A_470 = vector.broadcast %max3A_469 : f32 to vector<16xf32>
        %max3A_471 = arith.maximumf %sub3A_468, %max3A_470 : vector<16xf32>
        %add3A_472 = arith.constant 6192 : i32
        %add3A_473 = arith.addi %add3A_472, %mul3A_28 : i32
        %get3A_474 = arith.index_cast %add3A_473 : i32 to index
        %get3A_475 = tpu.vector_load %arg4[%get3A_474] {strides = array<i32>} : memref<8192xf32, #tpu.memory_space<vmem>>, vector<16xf32>,
        %sub3A_476 = arith.subf %add3A_384, %get3A_475 : vector<16xf32>
        %max3A_477 = arith.constant 0.000000e+00 : f32
        %max3A_478 = vector.broadcast %max3A_477 : f32 to vector<16xf32>
        %max3A_479 = arith.maximumf %sub3A_476, %max3A_478 : vector<16xf32>
        %add3A_480 = arith.constant 6208 : i32
        %add3A_481 = arith.addi %add3A_480, %mul3A_28 : i32
        %get3A_482 = arith.index_cast %add3A_481 : i32 to index
        %get3A_483 = tpu.vector_load %arg4[%get3A_482] {strides = array<i32>} : memref<8192xf32, #tpu.memory_space<vmem>>, vector<16xf32>,
        %sub3A_484 = arith.subf %add3A_384, %get3A_483 : vector<16xf32>
        %max3A_485 = arith.constant 0.000000e+00 : f32
        %max3A_486 = vector.broadcast %max3A_485 : f32 to vector<16xf32>
        %max3A_487 = arith.maximumf %sub3A_484, %max3A_486 : vector<16xf32>
        %add3A_488 = arith.constant 6224 : i32
        %add3A_489 = arith.addi %add3A_488, %mul3A_28 : i32
        %get3A_490 = arith.index_cast %add3A_489 : i32 to index
        %get3A_491 = tpu.vector_load %arg4[%get3A_490] {strides = array<i32>} : memref<8192xf32, #tpu.memory_space<vmem>>, vector<16xf32>,
        %sub3A_492 = arith.subf %add3A_384, %get3A_491 : vector<16xf32>
        %max3A_493 = arith.constant 0.000000e+00 : f32
        %max3A_494 = vector.broadcast %max3A_493 : f32 to vector<16xf32>
        %max3A_495 = arith.maximumf %sub3A_492, %max3A_494 : vector<16xf32>
        %add3A_496 = arith.constant 6240 : i32
        %add3A_497 = arith.addi %add3A_496, %mul3A_28 : i32
        %get3A_498 = arith.index_cast %add3A_497 : i32 to index
        %get3A_499 = tpu.vector_load %arg4[%get3A_498] {strides = array<i32>} : memref<8192xf32, #tpu.memory_space<vmem>>, vector<16xf32>,
        %sub3A_500 = arith.subf %add3A_384, %get3A_499 : vector<16xf32>
        %max3A_501 = arith.constant 0.000000e+00 : f32
        %max3A_502 = vector.broadcast %max3A_501 : f32 to vector<16xf32>
        %max3A_503 = arith.maximumf %sub3A_500, %max3A_502 : vector<16xf32>
        %add3A_504 = arith.constant 6256 : i32
        %add3A_505 = arith.addi %add3A_504, %mul3A_28 : i32
        %get3A_506 = arith.index_cast %add3A_505 : i32 to index
        %get3A_507 = tpu.vector_load %arg4[%get3A_506] {strides = array<i32>} : memref<8192xf32, #tpu.memory_space<vmem>>, vector<16xf32>,
        %sub3A_508 = arith.subf %add3A_384, %get3A_507 : vector<16xf32>
        %max3A_509 = arith.constant 0.000000e+00 : f32
        %max3A_510 = vector.broadcast %max3A_509 : f32 to vector<16xf32>
        %max3A_511 = arith.maximumf %sub3A_508, %max3A_510 : vector<16xf32>
        %add3A_512 = arith.addf %max3A_391, %max3A_399 : vector<16xf32>
        %add3A_513 = arith.addf %max3A_407, %max3A_415 : vector<16xf32>
        %add3A_514 = arith.addf %max3A_423, %max3A_431 : vector<16xf32>
        %add3A_515 = arith.addf %max3A_439, %max3A_447 : vector<16xf32>
        %add3A_516 = arith.addf %max3A_455, %max3A_463 : vector<16xf32>
        %add3A_517 = arith.addf %max3A_471, %max3A_479 : vector<16xf32>
        %add3A_518 = arith.addf %max3A_487, %max3A_495 : vector<16xf32>
        %add3A_519 = arith.addf %max3A_503, %max3A_511 : vector<16xf32>
        %add3A_520 = arith.addf %add3A_512, %add3A_513 : vector<16xf32>
        %add3A_521 = arith.addf %add3A_514, %add3A_515 : vector<16xf32>
        %add3A_522 = arith.addf %add3A_516, %add3A_517 : vector<16xf32>
        %add3A_523 = arith.addf %add3A_518, %add3A_519 : vector<16xf32>
        %add3A_524 = arith.addf %add3A_520, %add3A_521 : vector<16xf32>
        %add3A_525 = arith.addf %add3A_522, %add3A_523 : vector<16xf32>
        %add3A_526 = arith.addf %add3A_524, %add3A_525 : vector<16xf32>
        %add3A_527 = arith.addf %while3A_369, %add3A_526 : vector<16xf32>
        scf.yield %add3A_527 : vector<16xf32>
      }
      %while3A_361 = arith.constant 1 : i32
      %while3A_362 = scf.for %while3A_368 = %while3A_358 to %while3A_354 step %while3A_361 iter_args(%while3A_369 = %while3A_360) -> (vector<16xf32>)  : i32 {
        %broadcast_in_dim3A_370 = vector.broadcast %while3A_368 : i32 to vector<16xi32>
        %gather3A = tpu.vector_load_idx %arg5[%broadcast_in_dim3A_370] : memref<256xi32, #tpu.memory_space<vmem>>[vector<16xi32>], vector<16xi32>,
        %shift_right_arithmetic3A = arith.constant 7 : i32
        %shift_right_arithmetic3A_371 = vector.broadcast %shift_right_arithmetic3A : i32 to vector<16xi32>
        %shift_right_arithmetic3A_372 = arith.shrsi %gather3A, %shift_right_arithmetic3A_371 : vector<16xi32>
        %mul3A_373 = arith.constant 2048 : i32
        %mul3A_374 = vector.broadcast %mul3A_373 : i32 to vector<16xi32>
        %mul3A_375 = arith.muli %shift_right_arithmetic3A_372, %mul3A_374 : vector<16xi32>
        %and3A = arith.constant 127 : i32
        %and3A_376 = vector.broadcast %and3A : i32 to vector<16xi32>
        %and3A_377 = arith.andi %gather3A, %and3A_376 : vector<16xi32>
        %add3A_378 = arith.addi %mul3A_375, %and3A_377 : vector<16xi32>
        %add3A_379 = vector.broadcast %mul3A_28 : i32 to vector<16xi32>
        %add3A_380 = arith.addi %add3A_378, %add3A_379 : vector<16xi32>
        %gather3A_381 = tpu.vector_load_idx %arg4[%add3A_380] : memref<8192xf32, #tpu.memory_space<vmem>>[vector<16xi32>], vector<16xf32>,
        %add3A_382 = arith.constant 2.000000e-01 : f32
        %add3A_383 = vector.broadcast %add3A_382 : f32 to vector<16xf32>
        %add3A_384 = arith.addf %gather3A_381, %add3A_383 : vector<16xf32>
        %add3A_385 = arith.constant 4096 : i32
        %add3A_386 = arith.addi %add3A_385, %mul3A_28 : i32
        %get3A_387 = arith.index_cast %add3A_386 : i32 to index
        %get3A_388 = tpu.vector_load %arg4[%get3A_387] {strides = array<i32>} : memref<8192xf32, #tpu.memory_space<vmem>>, vector<16xf32>,
        %sub3A_389 = arith.subf %add3A_384, %get3A_388 : vector<16xf32>
        %max3A = arith.constant 0.000000e+00 : f32
        %max3A_390 = vector.broadcast %max3A : f32 to vector<16xf32>
        %max3A_391 = arith.maximumf %sub3A_389, %max3A_390 : vector<16xf32>
        %add3A_392 = arith.constant 4112 : i32
        %add3A_393 = arith.addi %add3A_392, %mul3A_28 : i32
        %get3A_394 = arith.index_cast %add3A_393 : i32 to index
        %get3A_395 = tpu.vector_load %arg4[%get3A_394] {strides = array<i32>} : memref<8192xf32, #tpu.memory_space<vmem>>, vector<16xf32>,
        %sub3A_396 = arith.subf %add3A_384, %get3A_395 : vector<16xf32>
        %max3A_397 = arith.constant 0.000000e+00 : f32
        %max3A_398 = vector.broadcast %max3A_397 : f32 to vector<16xf32>
        %max3A_399 = arith.maximumf %sub3A_396, %max3A_398 : vector<16xf32>
        %add3A_400 = arith.constant 4128 : i32
        %add3A_401 = arith.addi %add3A_400, %mul3A_28 : i32
        %get3A_402 = arith.index_cast %add3A_401 : i32 to index
        %get3A_403 = tpu.vector_load %arg4[%get3A_402] {strides = array<i32>} : memref<8192xf32, #tpu.memory_space<vmem>>, vector<16xf32>,
        %sub3A_404 = arith.subf %add3A_384, %get3A_403 : vector<16xf32>
        %max3A_405 = arith.constant 0.000000e+00 : f32
        %max3A_406 = vector.broadcast %max3A_405 : f32 to vector<16xf32>
        %max3A_407 = arith.maximumf %sub3A_404, %max3A_406 : vector<16xf32>
        %add3A_408 = arith.constant 4144 : i32
        %add3A_409 = arith.addi %add3A_408, %mul3A_28 : i32
        %get3A_410 = arith.index_cast %add3A_409 : i32 to index
        %get3A_411 = tpu.vector_load %arg4[%get3A_410] {strides = array<i32>} : memref<8192xf32, #tpu.memory_space<vmem>>, vector<16xf32>,
        %sub3A_412 = arith.subf %add3A_384, %get3A_411 : vector<16xf32>
        %max3A_413 = arith.constant 0.000000e+00 : f32
        %max3A_414 = vector.broadcast %max3A_413 : f32 to vector<16xf32>
        %max3A_415 = arith.maximumf %sub3A_412, %max3A_414 : vector<16xf32>
        %add3A_416 = arith.constant 4160 : i32
        %add3A_417 = arith.addi %add3A_416, %mul3A_28 : i32
        %get3A_418 = arith.index_cast %add3A_417 : i32 to index
        %get3A_419 = tpu.vector_load %arg4[%get3A_418] {strides = array<i32>} : memref<8192xf32, #tpu.memory_space<vmem>>, vector<16xf32>,
        %sub3A_420 = arith.subf %add3A_384, %get3A_419 : vector<16xf32>
        %max3A_421 = arith.constant 0.000000e+00 : f32
        %max3A_422 = vector.broadcast %max3A_421 : f32 to vector<16xf32>
        %max3A_423 = arith.maximumf %sub3A_420, %max3A_422 : vector<16xf32>
        %add3A_424 = arith.constant 4176 : i32
        %add3A_425 = arith.addi %add3A_424, %mul3A_28 : i32
        %get3A_426 = arith.index_cast %add3A_425 : i32 to index
        %get3A_427 = tpu.vector_load %arg4[%get3A_426] {strides = array<i32>} : memref<8192xf32, #tpu.memory_space<vmem>>, vector<16xf32>,
        %sub3A_428 = arith.subf %add3A_384, %get3A_427 : vector<16xf32>
        %max3A_429 = arith.constant 0.000000e+00 : f32
        %max3A_430 = vector.broadcast %max3A_429 : f32 to vector<16xf32>
        %max3A_431 = arith.maximumf %sub3A_428, %max3A_430 : vector<16xf32>
        %add3A_432 = arith.constant 4192 : i32
        %add3A_433 = arith.addi %add3A_432, %mul3A_28 : i32
        %get3A_434 = arith.index_cast %add3A_433 : i32 to index
        %get3A_435 = tpu.vector_load %arg4[%get3A_434] {strides = array<i32>} : memref<8192xf32, #tpu.memory_space<vmem>>, vector<16xf32>,
        %sub3A_436 = arith.subf %add3A_384, %get3A_435 : vector<16xf32>
        %max3A_437 = arith.constant 0.000000e+00 : f32
        %max3A_438 = vector.broadcast %max3A_437 : f32 to vector<16xf32>
        %max3A_439 = arith.maximumf %sub3A_436, %max3A_438 : vector<16xf32>
        %add3A_440 = arith.constant 4208 : i32
        %add3A_441 = arith.addi %add3A_440, %mul3A_28 : i32
        %get3A_442 = arith.index_cast %add3A_441 : i32 to index
        %get3A_443 = tpu.vector_load %arg4[%get3A_442] {strides = array<i32>} : memref<8192xf32, #tpu.memory_space<vmem>>, vector<16xf32>,
        %sub3A_444 = arith.subf %add3A_384, %get3A_443 : vector<16xf32>
        %max3A_445 = arith.constant 0.000000e+00 : f32
        %max3A_446 = vector.broadcast %max3A_445 : f32 to vector<16xf32>
        %max3A_447 = arith.maximumf %sub3A_444, %max3A_446 : vector<16xf32>
        %add3A_448 = arith.constant 6144 : i32
        %add3A_449 = arith.addi %add3A_448, %mul3A_28 : i32
        %get3A_450 = arith.index_cast %add3A_449 : i32 to index
        %get3A_451 = tpu.vector_load %arg4[%get3A_450] {strides = array<i32>} : memref<8192xf32, #tpu.memory_space<vmem>>, vector<16xf32>,
        %sub3A_452 = arith.subf %add3A_384, %get3A_451 : vector<16xf32>
        %max3A_453 = arith.constant 0.000000e+00 : f32
        %max3A_454 = vector.broadcast %max3A_453 : f32 to vector<16xf32>
        %max3A_455 = arith.maximumf %sub3A_452, %max3A_454 : vector<16xf32>
        %add3A_456 = arith.constant 6160 : i32
        %add3A_457 = arith.addi %add3A_456, %mul3A_28 : i32
        %get3A_458 = arith.index_cast %add3A_457 : i32 to index
        %get3A_459 = tpu.vector_load %arg4[%get3A_458] {strides = array<i32>} : memref<8192xf32, #tpu.memory_space<vmem>>, vector<16xf32>,
        %sub3A_460 = arith.subf %add3A_384, %get3A_459 : vector<16xf32>
        %max3A_461 = arith.constant 0.000000e+00 : f32
        %max3A_462 = vector.broadcast %max3A_461 : f32 to vector<16xf32>
        %max3A_463 = arith.maximumf %sub3A_460, %max3A_462 : vector<16xf32>
        %add3A_464 = arith.constant 6176 : i32
        %add3A_465 = arith.addi %add3A_464, %mul3A_28 : i32
        %get3A_466 = arith.index_cast %add3A_465 : i32 to index
        %get3A_467 = tpu.vector_load %arg4[%get3A_466] {strides = array<i32>} : memref<8192xf32, #tpu.memory_space<vmem>>, vector<16xf32>,
        %sub3A_468 = arith.subf %add3A_384, %get3A_467 : vector<16xf32>
        %max3A_469 = arith.constant 0.000000e+00 : f32
        %max3A_470 = vector.broadcast %max3A_469 : f32 to vector<16xf32>
        %max3A_471 = arith.maximumf %sub3A_468, %max3A_470 : vector<16xf32>
        %add3A_472 = arith.constant 6192 : i32
        %add3A_473 = arith.addi %add3A_472, %mul3A_28 : i32
        %get3A_474 = arith.index_cast %add3A_473 : i32 to index
        %get3A_475 = tpu.vector_load %arg4[%get3A_474] {strides = array<i32>} : memref<8192xf32, #tpu.memory_space<vmem>>, vector<16xf32>,
        %sub3A_476 = arith.subf %add3A_384, %get3A_475 : vector<16xf32>
        %max3A_477 = arith.constant 0.000000e+00 : f32
        %max3A_478 = vector.broadcast %max3A_477 : f32 to vector<16xf32>
        %max3A_479 = arith.maximumf %sub3A_476, %max3A_478 : vector<16xf32>
        %add3A_480 = arith.constant 6208 : i32
        %add3A_481 = arith.addi %add3A_480, %mul3A_28 : i32
        %get3A_482 = arith.index_cast %add3A_481 : i32 to index
        %get3A_483 = tpu.vector_load %arg4[%get3A_482] {strides = array<i32>} : memref<8192xf32, #tpu.memory_space<vmem>>, vector<16xf32>,
        %sub3A_484 = arith.subf %add3A_384, %get3A_483 : vector<16xf32>
        %max3A_485 = arith.constant 0.000000e+00 : f32
        %max3A_486 = vector.broadcast %max3A_485 : f32 to vector<16xf32>
        %max3A_487 = arith.maximumf %sub3A_484, %max3A_486 : vector<16xf32>
        %add3A_488 = arith.constant 6224 : i32
        %add3A_489 = arith.addi %add3A_488, %mul3A_28 : i32
        %get3A_490 = arith.index_cast %add3A_489 : i32 to index
        %get3A_491 = tpu.vector_load %arg4[%get3A_490] {strides = array<i32>} : memref<8192xf32, #tpu.memory_space<vmem>>, vector<16xf32>,
        %sub3A_492 = arith.subf %add3A_384, %get3A_491 : vector<16xf32>
        %max3A_493 = arith.constant 0.000000e+00 : f32
        %max3A_494 = vector.broadcast %max3A_493 : f32 to vector<16xf32>
        %max3A_495 = arith.maximumf %sub3A_492, %max3A_494 : vector<16xf32>
        %add3A_496 = arith.constant 6240 : i32
        %add3A_497 = arith.addi %add3A_496, %mul3A_28 : i32
        %get3A_498 = arith.index_cast %add3A_497 : i32 to index
        %get3A_499 = tpu.vector_load %arg4[%get3A_498] {strides = array<i32>} : memref<8192xf32, #tpu.memory_space<vmem>>, vector<16xf32>,
        %sub3A_500 = arith.subf %add3A_384, %get3A_499 : vector<16xf32>
        %max3A_501 = arith.constant 0.000000e+00 : f32
        %max3A_502 = vector.broadcast %max3A_501 : f32 to vector<16xf32>
        %max3A_503 = arith.maximumf %sub3A_500, %max3A_502 : vector<16xf32>
        %add3A_504 = arith.constant 6256 : i32
        %add3A_505 = arith.addi %add3A_504, %mul3A_28 : i32
        %get3A_506 = arith.index_cast %add3A_505 : i32 to index
        %get3A_507 = tpu.vector_load %arg4[%get3A_506] {strides = array<i32>} : memref<8192xf32, #tpu.memory_space<vmem>>, vector<16xf32>,
        %sub3A_508 = arith.subf %add3A_384, %get3A_507 : vector<16xf32>
        %max3A_509 = arith.constant 0.000000e+00 : f32
        %max3A_510 = vector.broadcast %max3A_509 : f32 to vector<16xf32>
        %max3A_511 = arith.maximumf %sub3A_508, %max3A_510 : vector<16xf32>
        %add3A_512 = arith.addf %max3A_391, %max3A_399 : vector<16xf32>
        %add3A_513 = arith.addf %max3A_407, %max3A_415 : vector<16xf32>
        %add3A_514 = arith.addf %max3A_423, %max3A_431 : vector<16xf32>
        %add3A_515 = arith.addf %max3A_439, %max3A_447 : vector<16xf32>
        %add3A_516 = arith.addf %max3A_455, %max3A_463 : vector<16xf32>
        %add3A_517 = arith.addf %max3A_471, %max3A_479 : vector<16xf32>
        %add3A_518 = arith.addf %max3A_487, %max3A_495 : vector<16xf32>
        %add3A_519 = arith.addf %max3A_503, %max3A_511 : vector<16xf32>
        %add3A_520 = arith.addf %add3A_512, %add3A_513 : vector<16xf32>
        %add3A_521 = arith.addf %add3A_514, %add3A_515 : vector<16xf32>
        %add3A_522 = arith.addf %add3A_516, %add3A_517 : vector<16xf32>
        %add3A_523 = arith.addf %add3A_518, %add3A_519 : vector<16xf32>
        %add3A_524 = arith.addf %add3A_520, %add3A_521 : vector<16xf32>
        %add3A_525 = arith.addf %add3A_522, %add3A_523 : vector<16xf32>
        %add3A_526 = arith.addf %add3A_524, %add3A_525 : vector<16xf32>
        %add3A_527 = arith.addf %while3A_369, %add3A_526 : vector<16xf32>
        scf.yield %add3A_527 : vector<16xf32>
      }
      %convert_element_type3A_363 = arith.sitofp %reduce_max3A_352 : i32 to f32
      %sub3A_364 = arith.constant 2.550000e+02 : f32
      %sub3A_365 = arith.subf %sub3A_364, %convert_element_type3A_363 : f32
      %mul3A_366 = arith.mulf %convert_element_type3A_363, %sub3A_365 : f32
      %add3A_367 = arith.addf %scan3A_26, %mul3A_366 : f32
      scf.yield %while3A_362, %add3A_367 : vector<16xf32>, f32
    }
    %scan3A_13 = arith.constant 16 : i32
    %swap3A = arith.constant 0 : index
    %swap3A_14 = tpu.vector_load %arg6[%swap3A] {strides = array<i32>} : memref<32xf32, #tpu.memory_space<vmem>>, vector<16xf32>,
    tpu.vector_store %arg6[%swap3A], %scan3A_12#0 {strides = array<i32>} : memref<32xf32, #tpu.memory_space<vmem>>, vector<16xf32>,
    %broadcast_in_dim3A_15 = vector.broadcast %scan3A_12#1 : f32 to vector<16xf32>
    %swap3A_16 = arith.constant 16 : index
    %swap3A_17 = tpu.vector_load %arg6[%swap3A_16] {strides = array<i32>} : memref<32xf32, #tpu.memory_space<vmem>>, vector<16xf32>,
    tpu.vector_store %arg6[%swap3A_16], %broadcast_in_dim3A_15 {strides = array<i32>} : memref<32xf32, #tpu.memory_space<vmem>>, vector<16xf32>,
    %mul3A_18 = arith.constant 2 : i32
    %mul3A_19 = arith.muli %add3A, %mul3A_18 : i32
    %mul3A_20 = arith.constant 16 : i32
    %mul3A_21 = arith.muli %mul3A_19, %mul3A_20 : i32
    "tpu.region"() ({
      %run_scoped3A = tpu.sem_alloc : memref<!tpu.dma_semaphore, #tpu.memory_space<semaphore_mem>>
      %dma_start3A_24 = tpu.memref_slice %arg7[%mul3A_21] : memref<512xf32, #tpu.memory_space<vmem_shared>> -> memref<32xf32, #tpu.memory_space<vmem_shared>>
      %dma_start3A_25 = tpu.memref_slice %arg7[%mul3A_21] : memref<512xf32, #tpu.memory_space<vmem_shared>> -> memref<32xf32, #tpu.memory_space<vmem_shared>>
      tpu.enqueue_dma source(%arg6 : memref<32xf32, #tpu.memory_space<vmem>>) target(%dma_start3A_25 : memref<32xf32, #tpu.memory_space<vmem_shared>>) target_semaphore(%run_scoped3A : memref<!tpu.dma_semaphore, #tpu.memory_space<semaphore_mem>>)
      %dma_wait3A_26 = tpu.memref_slice %arg7[%mul3A_21] : memref<512xf32, #tpu.memory_space<vmem_shared>> -> memref<32xf32, #tpu.memory_space<vmem_shared>>
      %dma_wait3A_27 = tpu.memref_slice %arg7[%mul3A_21] : memref<512xf32, #tpu.memory_space<vmem_shared>> -> memref<32xf32, #tpu.memory_space<vmem_shared>>
      tpu.wait_dma2 semaphore(%run_scoped3A : memref<!tpu.dma_semaphore, #tpu.memory_space<semaphore_mem>>) src(%arg6 : memref<32xf32, #tpu.memory_space<vmem>>) dst(%dma_wait3A_27 : memref<32xf32, #tpu.memory_space<vmem_shared>>)
      tpu.yield
    }) : () -> ()
    %barrier3A = arith.constant 0 : index
    tpu.barrier barrier_id(%barrier3A)
    %eq3A = arith.constant 0 : i32
    %eq3A_22 = arith.cmpi eq, %add3A, %eq3A : i32
    %convert_element_type3A = arith.extui %eq3A_22 : i1 to i32
    %cond3A = arith.constant 0 : i32
    %cond3A_23 = arith.cmpi ne, %convert_element_type3A, %cond3A : i32
    scf.if %cond3A_23 {
      "tpu.region"() ({
        %run_scoped3A = tpu.sem_alloc : memref<!tpu.dma_semaphore, #tpu.memory_space<semaphore_mem>>
        tpu.enqueue_dma source(%arg7 : memref<512xf32, #tpu.memory_space<vmem_shared>>) target(%arg8 : memref<512xf32, #tpu.memory_space<vmem>>) target_semaphore(%run_scoped3A : memref<!tpu.dma_semaphore, #tpu.memory_space<semaphore_mem>>)
        tpu.wait_dma2 semaphore(%run_scoped3A : memref<!tpu.dma_semaphore, #tpu.memory_space<semaphore_mem>>) src(%arg7 : memref<512xf32, #tpu.memory_space<vmem_shared>>) dst(%arg8 : memref<512xf32, #tpu.memory_space<vmem>>)
        tpu.yield
      }) : () -> ()
      %get3A = arith.constant 0 : index
      %get3A_24 = tpu.vector_load %arg8[%get3A] {strides = array<i32>} : memref<512xf32, #tpu.memory_space<vmem>>, vector<16xf32>,
      %get3A_25 = arith.constant 32 : index
      %get3A_26 = tpu.vector_load %arg8[%get3A_25] {strides = array<i32>} : memref<512xf32, #tpu.memory_space<vmem>>, vector<16xf32>,
      %get3A_27 = arith.constant 64 : index
      %get3A_28 = tpu.vector_load %arg8[%get3A_27] {strides = array<i32>} : memref<512xf32, #tpu.memory_space<vmem>>, vector<16xf32>,
      %get3A_29 = arith.constant 96 : index
      %get3A_30 = tpu.vector_load %arg8[%get3A_29] {strides = array<i32>} : memref<512xf32, #tpu.memory_space<vmem>>, vector<16xf32>,
      %get3A_31 = arith.constant 128 : index
      %get3A_32 = tpu.vector_load %arg8[%get3A_31] {strides = array<i32>} : memref<512xf32, #tpu.memory_space<vmem>>, vector<16xf32>,
      %get3A_33 = arith.constant 160 : index
      %get3A_34 = tpu.vector_load %arg8[%get3A_33] {strides = array<i32>} : memref<512xf32, #tpu.memory_space<vmem>>, vector<16xf32>,
      %get3A_35 = arith.constant 192 : index
      %get3A_36 = tpu.vector_load %arg8[%get3A_35] {strides = array<i32>} : memref<512xf32, #tpu.memory_space<vmem>>, vector<16xf32>,
      %get3A_37 = arith.constant 224 : index
      %get3A_38 = tpu.vector_load %arg8[%get3A_37] {strides = array<i32>} : memref<512xf32, #tpu.memory_space<vmem>>, vector<16xf32>,
      %get3A_39 = arith.constant 256 : index
      %get3A_40 = tpu.vector_load %arg8[%get3A_39] {strides = array<i32>} : memref<512xf32, #tpu.memory_space<vmem>>, vector<16xf32>,
      %get3A_41 = arith.constant 288 : index
      %get3A_42 = tpu.vector_load %arg8[%get3A_41] {strides = array<i32>} : memref<512xf32, #tpu.memory_space<vmem>>, vector<16xf32>,
      %get3A_43 = arith.constant 320 : index
      %get3A_44 = tpu.vector_load %arg8[%get3A_43] {strides = array<i32>} : memref<512xf32, #tpu.memory_space<vmem>>, vector<16xf32>,
      %get3A_45 = arith.constant 352 : index
      %get3A_46 = tpu.vector_load %arg8[%get3A_45] {strides = array<i32>} : memref<512xf32, #tpu.memory_space<vmem>>, vector<16xf32>,
      %get3A_47 = arith.constant 384 : index
      %get3A_48 = tpu.vector_load %arg8[%get3A_47] {strides = array<i32>} : memref<512xf32, #tpu.memory_space<vmem>>, vector<16xf32>,
      %get3A_49 = arith.constant 416 : index
      %get3A_50 = tpu.vector_load %arg8[%get3A_49] {strides = array<i32>} : memref<512xf32, #tpu.memory_space<vmem>>, vector<16xf32>,
      %get3A_51 = arith.constant 448 : index
      %get3A_52 = tpu.vector_load %arg8[%get3A_51] {strides = array<i32>} : memref<512xf32, #tpu.memory_space<vmem>>, vector<16xf32>,
      %get3A_53 = arith.constant 480 : index
      %get3A_54 = tpu.vector_load %arg8[%get3A_53] {strides = array<i32>} : memref<512xf32, #tpu.memory_space<vmem>>, vector<16xf32>,
      %get3A_55 = arith.constant 16 : index
      %get3A_56 = tpu.vector_load %arg8[%get3A_55] {strides = array<i32>} : memref<512xf32, #tpu.memory_space<vmem>>, vector<16xf32>,
      %get3A_57 = arith.constant 48 : index
      %get3A_58 = tpu.vector_load %arg8[%get3A_57] {strides = array<i32>} : memref<512xf32, #tpu.memory_space<vmem>>, vector<16xf32>,
      %get3A_59 = arith.constant 80 : index
      %get3A_60 = tpu.vector_load %arg8[%get3A_59] {strides = array<i32>} : memref<512xf32, #tpu.memory_space<vmem>>, vector<16xf32>,
      %get3A_61 = arith.constant 112 : index
      %get3A_62 = tpu.vector_load %arg8[%get3A_61] {strides = array<i32>} : memref<512xf32, #tpu.memory_space<vmem>>, vector<16xf32>,
      %get3A_63 = arith.constant 144 : index
      %get3A_64 = tpu.vector_load %arg8[%get3A_63] {strides = array<i32>} : memref<512xf32, #tpu.memory_space<vmem>>, vector<16xf32>,
      %get3A_65 = arith.constant 176 : index
      %get3A_66 = tpu.vector_load %arg8[%get3A_65] {strides = array<i32>} : memref<512xf32, #tpu.memory_space<vmem>>, vector<16xf32>,
      %get3A_67 = arith.constant 208 : index
      %get3A_68 = tpu.vector_load %arg8[%get3A_67] {strides = array<i32>} : memref<512xf32, #tpu.memory_space<vmem>>, vector<16xf32>,
      %get3A_69 = arith.constant 240 : index
      %get3A_70 = tpu.vector_load %arg8[%get3A_69] {strides = array<i32>} : memref<512xf32, #tpu.memory_space<vmem>>, vector<16xf32>,
      %get3A_71 = arith.constant 272 : index
      %get3A_72 = tpu.vector_load %arg8[%get3A_71] {strides = array<i32>} : memref<512xf32, #tpu.memory_space<vmem>>, vector<16xf32>,
      %get3A_73 = arith.constant 304 : index
      %get3A_74 = tpu.vector_load %arg8[%get3A_73] {strides = array<i32>} : memref<512xf32, #tpu.memory_space<vmem>>, vector<16xf32>,
      %get3A_75 = arith.constant 336 : index
      %get3A_76 = tpu.vector_load %arg8[%get3A_75] {strides = array<i32>} : memref<512xf32, #tpu.memory_space<vmem>>, vector<16xf32>,
      %get3A_77 = arith.constant 368 : index
      %get3A_78 = tpu.vector_load %arg8[%get3A_77] {strides = array<i32>} : memref<512xf32, #tpu.memory_space<vmem>>, vector<16xf32>,
      %get3A_79 = arith.constant 400 : index
      %get3A_80 = tpu.vector_load %arg8[%get3A_79] {strides = array<i32>} : memref<512xf32, #tpu.memory_space<vmem>>, vector<16xf32>,
      %get3A_81 = arith.constant 432 : index
      %get3A_82 = tpu.vector_load %arg8[%get3A_81] {strides = array<i32>} : memref<512xf32, #tpu.memory_space<vmem>>, vector<16xf32>,
      %get3A_83 = arith.constant 464 : index
      %get3A_84 = tpu.vector_load %arg8[%get3A_83] {strides = array<i32>} : memref<512xf32, #tpu.memory_space<vmem>>, vector<16xf32>,
      %get3A_85 = arith.constant 496 : index
      %get3A_86 = tpu.vector_load %arg8[%get3A_85] {strides = array<i32>} : memref<512xf32, #tpu.memory_space<vmem>>, vector<16xf32>,
      %add3A_87 = arith.addf %get3A_24, %get3A_26 : vector<16xf32>
      %add3A_88 = arith.addf %get3A_28, %get3A_30 : vector<16xf32>
      %add3A_89 = arith.addf %get3A_32, %get3A_34 : vector<16xf32>
      %add3A_90 = arith.addf %get3A_36, %get3A_38 : vector<16xf32>
      %add3A_91 = arith.addf %get3A_40, %get3A_42 : vector<16xf32>
      %add3A_92 = arith.addf %get3A_44, %get3A_46 : vector<16xf32>
      %add3A_93 = arith.addf %get3A_48, %get3A_50 : vector<16xf32>
      %add3A_94 = arith.addf %get3A_52, %get3A_54 : vector<16xf32>
      %add3A_95 = arith.addf %add3A_87, %add3A_88 : vector<16xf32>
      %add3A_96 = arith.addf %add3A_89, %add3A_90 : vector<16xf32>
      %add3A_97 = arith.addf %add3A_91, %add3A_92 : vector<16xf32>
      %add3A_98 = arith.addf %add3A_93, %add3A_94 : vector<16xf32>
      %add3A_99 = arith.addf %add3A_95, %add3A_96 : vector<16xf32>
      %add3A_100 = arith.addf %add3A_97, %add3A_98 : vector<16xf32>
      %add3A_101 = arith.addf %add3A_99, %add3A_100 : vector<16xf32>
      %reduce_sum3A = arith.constant true
      %reduce_sum3A_102 = vector.broadcast %reduce_sum3A : i1 to vector<16xi1>
      %reduce_sum3A_103 = tpu.scan <sum>, %add3A_101 masked %reduce_sum3A_102 : vector<16xf32>, vector<16xi1> -> vector<16xf32>
      %reduce_sum3A_104 = vector.extract %reduce_sum3A_103[15] : f32 from vector<16xf32>
      %broadcast_in_dim3A_105 = vector.broadcast %reduce_sum3A_104 : f32 to vector<16xf32>
      %add3A_106 = arith.addf %get3A_56, %get3A_58 : vector<16xf32>
      %add3A_107 = arith.addf %get3A_60, %get3A_62 : vector<16xf32>
      %add3A_108 = arith.addf %get3A_64, %get3A_66 : vector<16xf32>
      %add3A_109 = arith.addf %get3A_68, %get3A_70 : vector<16xf32>
      %add3A_110 = arith.addf %get3A_72, %get3A_74 : vector<16xf32>
      %add3A_111 = arith.addf %get3A_76, %get3A_78 : vector<16xf32>
      %add3A_112 = arith.addf %get3A_80, %get3A_82 : vector<16xf32>
      %add3A_113 = arith.addf %get3A_84, %get3A_86 : vector<16xf32>
      %add3A_114 = arith.addf %add3A_106, %add3A_107 : vector<16xf32>
      %add3A_115 = arith.addf %add3A_108, %add3A_109 : vector<16xf32>
      %add3A_116 = arith.addf %add3A_110, %add3A_111 : vector<16xf32>
      %add3A_117 = arith.addf %add3A_112, %add3A_113 : vector<16xf32>
      %add3A_118 = arith.addf %add3A_114, %add3A_115 : vector<16xf32>
      %add3A_119 = arith.addf %add3A_116, %add3A_117 : vector<16xf32>
      %add3A_120 = arith.addf %add3A_118, %add3A_119 : vector<16xf32>
      %reduce_max3A = arith.constant true
      %reduce_max3A_121 = vector.broadcast %reduce_max3A : i1 to vector<16xi1>
      %reduce_max3A_122 = tpu.scan <max>, %add3A_120 masked %reduce_max3A_121 : vector<16xf32>, vector<16xi1> -> vector<16xf32>
      %reduce_max3A_123 = vector.extract %reduce_max3A_122[15] : f32 from vector<16xf32>
      %broadcast_in_dim3A_124 = vector.broadcast %reduce_max3A_123 : f32 to vector<16xf32>
      %max3A = arith.constant 1.000000e+00 : f32
      %max3A_125 = vector.broadcast %max3A : f32 to vector<16xf32>
      %max3A_126 = arith.maximumf %broadcast_in_dim3A_124, %max3A_125 : vector<16xf32>
      %eq3A_127 = arith.constant 0 : i32
      %eq3A_128 = vector.broadcast %eq3A_127 : i32 to vector<16xi32>
      %eq3A_129 = arith.cmpi eq, %iota3A, %eq3A_128 : vector<16xi32>
      %div3A = arith.divf %broadcast_in_dim3A_105, %max3A_126 : vector<16xf32>
      %jit3A = arith.constant 0.000000e+00 : f32
      %broadcast_in_dim3A_130 = vector.broadcast %jit3A : f32 to vector<16xf32>
      %select_n3A = arith.select %eq3A_129, %div3A, %broadcast_in_dim3A_130 : vector<16xi1>, vector<16xf32>
      %swap3A_131 = arith.constant 0 : index
      %swap3A_132 = tpu.vector_load %arg9[%swap3A_131] {strides = array<i32>} : memref<16xf32, #tpu.memory_space<vmem>>, vector<16xf32>,
      tpu.vector_store %arg9[%swap3A_131], %select_n3A {strides = array<i32>} : memref<16xf32, #tpu.memory_space<vmem>>, vector<16xf32>,
      "tpu.region"() ({
        %run_scoped3A = tpu.sem_alloc : memref<!tpu.dma_semaphore, #tpu.memory_space<semaphore_mem>>
        %dma_start3A_133 = arith.constant 0 : i32
        %dma_start3A_134 = tpu.memref_slice %arg9[%dma_start3A_133] : memref<16xf32, #tpu.memory_space<vmem>> -> memref<1xf32, #tpu.memory_space<vmem>>
        %dma_start3A_135 = arith.constant 0 : i32
        %dma_start3A_136 = tpu.memref_slice %arg9[%dma_start3A_135] : memref<16xf32, #tpu.memory_space<vmem>> -> memref<1xf32, #tpu.memory_space<vmem>>
        tpu.enqueue_dma source(%dma_start3A_136 : memref<1xf32, #tpu.memory_space<vmem>>) target(%arg3 : memref<1xf32, #tpu.memory_space<hbm>>) target_semaphore(%run_scoped3A : memref<!tpu.dma_semaphore, #tpu.memory_space<semaphore_mem>>)
        %dma_wait3A_137 = arith.constant 0 : i32
        %dma_wait3A_138 = tpu.memref_slice %arg9[%dma_wait3A_137] : memref<16xf32, #tpu.memory_space<vmem>> -> memref<1xf32, #tpu.memory_space<vmem>>
        %dma_wait3A_139 = arith.constant 0 : i32
        %dma_wait3A_140 = tpu.memref_slice %arg9[%dma_wait3A_139] : memref<16xf32, #tpu.memory_space<vmem>> -> memref<1xf32, #tpu.memory_space<vmem>>
        tpu.wait_dma2 semaphore(%run_scoped3A : memref<!tpu.dma_semaphore, #tpu.memory_space<semaphore_mem>>) src(%dma_wait3A_140 : memref<1xf32, #tpu.memory_space<vmem>>) dst(%arg3 : memref<1xf32, #tpu.memory_space<hbm>>)
        tpu.yield
      }) : () -> ()
    } else {
    }
    return
  }
}

module attributes {stable_mosaic.version = 14 : i64} {
  func.func @_tc_dist_body(%arg0: memref<256x256xf32, #tpu.memory_space<vmem>>, %arg1: memref<1x256xi32, #tpu.memory_space<vmem>>, %arg2: memref<1024x128xf32, #tpu.memory_space<vmem>>) attributes {dimension_semantics = [], scalar_prefetch = 0 : i64, scratch_operands = 0 : i64, tpu.core_type = #tpu.core_type<tc>} {
    %get3A = arith.constant 0 : index
    %get3A_0 = arith.constant 0 : index
    %get3A_1 = vector.load %arg0[%get3A, %get3A_0] : memref<256x256xf32, #tpu.memory_space<vmem>>, vector<256x256xf32>
    %get3A_2 = arith.constant 0 : index
    %get3A_3 = arith.constant 0 : index
    %get3A_4 = vector.load %arg1[%get3A_2, %get3A_3] : memref<1x256xi32, #tpu.memory_space<vmem>>, vector<1x256xi32>
    %get3A_5 = vector.shape_cast %get3A_4 : vector<1x256xi32> to vector<256xi32>
    %mul3A = arith.mulf %get3A_1, %get3A_1 : vector<256x256xf32>
    %reduce_sum3A = arith.constant dense<0.000000e+00> : vector<256xf32>
    %reduce_sum3A_6 = vector.multi_reduction <add>, %mul3A, %reduce_sum3A [1] : vector<256x256xf32> to vector<256xf32>
    %iota3A = tpu.iota {dimensions = array<i32: 0>} : vector<256x128xi32>
    %iota3A_7 = tpu.iota {dimensions = array<i32: 1>} : vector<256x128xi32>
    %slice3A = vector.extract_strided_slice %get3A_1 {offsets = [0, 0], sizes = [128, 256], strides = [1, 1]} : vector<256x256xf32> to vector<128x256xf32>
    %slice3A_8 = vector.extract_strided_slice %reduce_sum3A_6 {offsets = [0], sizes = [128], strides = [1]} : vector<256xf32> to vector<128xf32>
    %slice3A_9 = vector.extract_strided_slice %get3A_5 {offsets = [0], sizes = [128], strides = [1]} : vector<256xi32> to vector<128xi32>
    %dot_general3A = arith.constant dense<0.000000e+00> : vector<256x128xf32>
    %dot_general3A_10 = tpu.matmul %get3A_1, %slice3A, %dot_general3A {dimension_numbers = #tpu.dot_dimension_numbers<[1], [1], [0], [0], [0, 0, 1, 0], [], []>, transpose_lhs_hint = false} : vector<256x256xf32>, vector<128x256xf32>, vector<256x128xf32> -> vector<256x128xf32>
    %broadcast_in_dim3A = vector.shape_cast %reduce_sum3A_6 : vector<256xf32> to vector<256x1xf32>
    %broadcast_in_dim3A_11 = vector.shape_cast %slice3A_8 : vector<128xf32> to vector<1x128xf32>
    %add3A = vector.broadcast %broadcast_in_dim3A : vector<256x1xf32> to vector<256x128xf32>
    %add3A_12 = vector.broadcast %broadcast_in_dim3A_11 : vector<1x128xf32> to vector<256x128xf32>
    %add3A_13 = arith.addf %add3A, %add3A_12 : vector<256x128xf32>
    %mul3A_14 = arith.constant 2.000000e+00 : f32
    %mul3A_15 = vector.broadcast %mul3A_14 : f32 to vector<256x128xf32>
    %mul3A_16 = arith.mulf %mul3A_15, %dot_general3A_10 : vector<256x128xf32>
    %sub3A = arith.subf %add3A_13, %mul3A_16 : vector<256x128xf32>
    %max3A = arith.constant 0.000000e+00 : f32
    %max3A_17 = vector.broadcast %max3A : f32 to vector<256x128xf32>
    %max3A_18 = arith.maximumf %sub3A, %max3A_17 : vector<256x128xf32>
    %broadcast_in_dim3A_19 = vector.shape_cast %get3A_5 : vector<256xi32> to vector<256x1xi32>
    %broadcast_in_dim3A_20 = vector.shape_cast %slice3A_9 : vector<128xi32> to vector<1x128xi32>
    %eq3A = vector.broadcast %broadcast_in_dim3A_19 : vector<256x1xi32> to vector<256x128xi32>
    %eq3A_21 = vector.broadcast %broadcast_in_dim3A_20 : vector<1x128xi32> to vector<256x128xi32>
    %eq3A_22 = arith.cmpi eq, %eq3A, %eq3A_21 : vector<256x128xi32>
    %add3A_23 = arith.constant 0 : i32
    %add3A_24 = vector.broadcast %add3A_23 : i32 to vector<256x128xi32>
    %add3A_25 = arith.addi %iota3A_7, %add3A_24 : vector<256x128xi32>
    %ne3A = arith.cmpi ne, %iota3A, %add3A_25 : vector<256x128xi32>
    %and3A = arith.andi %eq3A_22, %ne3A : vector<256x128xi1>
    %jit3A = arith.constant -1.000000e+30 : f32
    %broadcast_in_dim3A_26 = vector.broadcast %jit3A : f32 to vector<256x128xf32>
    %select_n3A = arith.select %and3A, %max3A_18, %broadcast_in_dim3A_26 : vector<256x128xi1>, vector<256x128xf32>
    %jit3A_27 = arith.constant 1.000000e+30 : f32
    %broadcast_in_dim3A_28 = vector.broadcast %jit3A_27 : f32 to vector<256x128xf32>
    %select_n3A_29 = arith.select %eq3A_22, %broadcast_in_dim3A_28, %max3A_18 : vector<256x128xi1>, vector<256x128xf32>
    %slice3A_30 = vector.extract_strided_slice %select_n3A {offsets = [0, 0], sizes = [16, 128], strides = [1, 1]} : vector<256x128xf32> to vector<16x128xf32>
    %swap3A = arith.constant 0 : index
    %swap3A_31 = arith.constant 0 : index
    %swap3A_32 = vector.load %arg2[%swap3A, %swap3A_31] : memref<1024x128xf32, #tpu.memory_space<vmem>>, vector<16x128xf32>
    tpu.vector_store %arg2[%swap3A, %swap3A_31], %slice3A_30 {strides = array<i32>} : memref<1024x128xf32, #tpu.memory_space<vmem>>, vector<16x128xf32>,
    %slice3A_33 = vector.extract_strided_slice %select_n3A_29 {offsets = [0, 0], sizes = [16, 128], strides = [1, 1]} : vector<256x128xf32> to vector<16x128xf32>
    %swap3A_34 = arith.constant 32 : index
    %swap3A_35 = arith.constant 0 : index
    %swap3A_36 = vector.load %arg2[%swap3A_34, %swap3A_35] : memref<1024x128xf32, #tpu.memory_space<vmem>>, vector<16x128xf32>
    tpu.vector_store %arg2[%swap3A_34, %swap3A_35], %slice3A_33 {strides = array<i32>} : memref<1024x128xf32, #tpu.memory_space<vmem>>, vector<16x128xf32>,
    %slice3A_37 = vector.extract_strided_slice %select_n3A {offsets = [16, 0], sizes = [16, 128], strides = [1, 1]} : vector<256x128xf32> to vector<16x128xf32>
    %swap3A_38 = arith.constant 64 : index
    %swap3A_39 = arith.constant 0 : index
    %swap3A_40 = vector.load %arg2[%swap3A_38, %swap3A_39] : memref<1024x128xf32, #tpu.memory_space<vmem>>, vector<16x128xf32>
    tpu.vector_store %arg2[%swap3A_38, %swap3A_39], %slice3A_37 {strides = array<i32>} : memref<1024x128xf32, #tpu.memory_space<vmem>>, vector<16x128xf32>,
    %slice3A_41 = vector.extract_strided_slice %select_n3A_29 {offsets = [16, 0], sizes = [16, 128], strides = [1, 1]} : vector<256x128xf32> to vector<16x128xf32>
    %swap3A_42 = arith.constant 96 : index
    %swap3A_43 = arith.constant 0 : index
    %swap3A_44 = vector.load %arg2[%swap3A_42, %swap3A_43] : memref<1024x128xf32, #tpu.memory_space<vmem>>, vector<16x128xf32>
    tpu.vector_store %arg2[%swap3A_42, %swap3A_43], %slice3A_41 {strides = array<i32>} : memref<1024x128xf32, #tpu.memory_space<vmem>>, vector<16x128xf32>,
    %slice3A_45 = vector.extract_strided_slice %select_n3A {offsets = [32, 0], sizes = [16, 128], strides = [1, 1]} : vector<256x128xf32> to vector<16x128xf32>
    %swap3A_46 = arith.constant 128 : index
    %swap3A_47 = arith.constant 0 : index
    %swap3A_48 = vector.load %arg2[%swap3A_46, %swap3A_47] : memref<1024x128xf32, #tpu.memory_space<vmem>>, vector<16x128xf32>
    tpu.vector_store %arg2[%swap3A_46, %swap3A_47], %slice3A_45 {strides = array<i32>} : memref<1024x128xf32, #tpu.memory_space<vmem>>, vector<16x128xf32>,
    %slice3A_49 = vector.extract_strided_slice %select_n3A_29 {offsets = [32, 0], sizes = [16, 128], strides = [1, 1]} : vector<256x128xf32> to vector<16x128xf32>
    %swap3A_50 = arith.constant 160 : index
    %swap3A_51 = arith.constant 0 : index
    %swap3A_52 = vector.load %arg2[%swap3A_50, %swap3A_51] : memref<1024x128xf32, #tpu.memory_space<vmem>>, vector<16x128xf32>
    tpu.vector_store %arg2[%swap3A_50, %swap3A_51], %slice3A_49 {strides = array<i32>} : memref<1024x128xf32, #tpu.memory_space<vmem>>, vector<16x128xf32>,
    %slice3A_53 = vector.extract_strided_slice %select_n3A {offsets = [48, 0], sizes = [16, 128], strides = [1, 1]} : vector<256x128xf32> to vector<16x128xf32>
    %swap3A_54 = arith.constant 192 : index
    %swap3A_55 = arith.constant 0 : index
    %swap3A_56 = vector.load %arg2[%swap3A_54, %swap3A_55] : memref<1024x128xf32, #tpu.memory_space<vmem>>, vector<16x128xf32>
    tpu.vector_store %arg2[%swap3A_54, %swap3A_55], %slice3A_53 {strides = array<i32>} : memref<1024x128xf32, #tpu.memory_space<vmem>>, vector<16x128xf32>,
    %slice3A_57 = vector.extract_strided_slice %select_n3A_29 {offsets = [48, 0], sizes = [16, 128], strides = [1, 1]} : vector<256x128xf32> to vector<16x128xf32>
    %swap3A_58 = arith.constant 224 : index
    %swap3A_59 = arith.constant 0 : index
    %swap3A_60 = vector.load %arg2[%swap3A_58, %swap3A_59] : memref<1024x128xf32, #tpu.memory_space<vmem>>, vector<16x128xf32>
    tpu.vector_store %arg2[%swap3A_58, %swap3A_59], %slice3A_57 {strides = array<i32>} : memref<1024x128xf32, #tpu.memory_space<vmem>>, vector<16x128xf32>,
    %slice3A_61 = vector.extract_strided_slice %select_n3A {offsets = [64, 0], sizes = [16, 128], strides = [1, 1]} : vector<256x128xf32> to vector<16x128xf32>
    %swap3A_62 = arith.constant 256 : index
    %swap3A_63 = arith.constant 0 : index
    %swap3A_64 = vector.load %arg2[%swap3A_62, %swap3A_63] : memref<1024x128xf32, #tpu.memory_space<vmem>>, vector<16x128xf32>
    tpu.vector_store %arg2[%swap3A_62, %swap3A_63], %slice3A_61 {strides = array<i32>} : memref<1024x128xf32, #tpu.memory_space<vmem>>, vector<16x128xf32>,
    %slice3A_65 = vector.extract_strided_slice %select_n3A_29 {offsets = [64, 0], sizes = [16, 128], strides = [1, 1]} : vector<256x128xf32> to vector<16x128xf32>
    %swap3A_66 = arith.constant 288 : index
    %swap3A_67 = arith.constant 0 : index
    %swap3A_68 = vector.load %arg2[%swap3A_66, %swap3A_67] : memref<1024x128xf32, #tpu.memory_space<vmem>>, vector<16x128xf32>
    tpu.vector_store %arg2[%swap3A_66, %swap3A_67], %slice3A_65 {strides = array<i32>} : memref<1024x128xf32, #tpu.memory_space<vmem>>, vector<16x128xf32>,
    %slice3A_69 = vector.extract_strided_slice %select_n3A {offsets = [80, 0], sizes = [16, 128], strides = [1, 1]} : vector<256x128xf32> to vector<16x128xf32>
    %swap3A_70 = arith.constant 320 : index
    %swap3A_71 = arith.constant 0 : index
    %swap3A_72 = vector.load %arg2[%swap3A_70, %swap3A_71] : memref<1024x128xf32, #tpu.memory_space<vmem>>, vector<16x128xf32>
    tpu.vector_store %arg2[%swap3A_70, %swap3A_71], %slice3A_69 {strides = array<i32>} : memref<1024x128xf32, #tpu.memory_space<vmem>>, vector<16x128xf32>,
    %slice3A_73 = vector.extract_strided_slice %select_n3A_29 {offsets = [80, 0], sizes = [16, 128], strides = [1, 1]} : vector<256x128xf32> to vector<16x128xf32>
    %swap3A_74 = arith.constant 352 : index
    %swap3A_75 = arith.constant 0 : index
    %swap3A_76 = vector.load %arg2[%swap3A_74, %swap3A_75] : memref<1024x128xf32, #tpu.memory_space<vmem>>, vector<16x128xf32>
    tpu.vector_store %arg2[%swap3A_74, %swap3A_75], %slice3A_73 {strides = array<i32>} : memref<1024x128xf32, #tpu.memory_space<vmem>>, vector<16x128xf32>,
    %slice3A_77 = vector.extract_strided_slice %select_n3A {offsets = [96, 0], sizes = [16, 128], strides = [1, 1]} : vector<256x128xf32> to vector<16x128xf32>
    %swap3A_78 = arith.constant 384 : index
    %swap3A_79 = arith.constant 0 : index
    %swap3A_80 = vector.load %arg2[%swap3A_78, %swap3A_79] : memref<1024x128xf32, #tpu.memory_space<vmem>>, vector<16x128xf32>
    tpu.vector_store %arg2[%swap3A_78, %swap3A_79], %slice3A_77 {strides = array<i32>} : memref<1024x128xf32, #tpu.memory_space<vmem>>, vector<16x128xf32>,
    %slice3A_81 = vector.extract_strided_slice %select_n3A_29 {offsets = [96, 0], sizes = [16, 128], strides = [1, 1]} : vector<256x128xf32> to vector<16x128xf32>
    %swap3A_82 = arith.constant 416 : index
    %swap3A_83 = arith.constant 0 : index
    %swap3A_84 = vector.load %arg2[%swap3A_82, %swap3A_83] : memref<1024x128xf32, #tpu.memory_space<vmem>>, vector<16x128xf32>
    tpu.vector_store %arg2[%swap3A_82, %swap3A_83], %slice3A_81 {strides = array<i32>} : memref<1024x128xf32, #tpu.memory_space<vmem>>, vector<16x128xf32>,
    %slice3A_85 = vector.extract_strided_slice %select_n3A {offsets = [112, 0], sizes = [16, 128], strides = [1, 1]} : vector<256x128xf32> to vector<16x128xf32>
    %swap3A_86 = arith.constant 448 : index
    %swap3A_87 = arith.constant 0 : index
    %swap3A_88 = vector.load %arg2[%swap3A_86, %swap3A_87] : memref<1024x128xf32, #tpu.memory_space<vmem>>, vector<16x128xf32>
    tpu.vector_store %arg2[%swap3A_86, %swap3A_87], %slice3A_85 {strides = array<i32>} : memref<1024x128xf32, #tpu.memory_space<vmem>>, vector<16x128xf32>,
    %slice3A_89 = vector.extract_strided_slice %select_n3A_29 {offsets = [112, 0], sizes = [16, 128], strides = [1, 1]} : vector<256x128xf32> to vector<16x128xf32>
    %swap3A_90 = arith.constant 480 : index
    %swap3A_91 = arith.constant 0 : index
    %swap3A_92 = vector.load %arg2[%swap3A_90, %swap3A_91] : memref<1024x128xf32, #tpu.memory_space<vmem>>, vector<16x128xf32>
    tpu.vector_store %arg2[%swap3A_90, %swap3A_91], %slice3A_89 {strides = array<i32>} : memref<1024x128xf32, #tpu.memory_space<vmem>>, vector<16x128xf32>,
    %slice3A_93 = vector.extract_strided_slice %select_n3A {offsets = [128, 0], sizes = [16, 128], strides = [1, 1]} : vector<256x128xf32> to vector<16x128xf32>
    %swap3A_94 = arith.constant 512 : index
    %swap3A_95 = arith.constant 0 : index
    %swap3A_96 = vector.load %arg2[%swap3A_94, %swap3A_95] : memref<1024x128xf32, #tpu.memory_space<vmem>>, vector<16x128xf32>
    tpu.vector_store %arg2[%swap3A_94, %swap3A_95], %slice3A_93 {strides = array<i32>} : memref<1024x128xf32, #tpu.memory_space<vmem>>, vector<16x128xf32>,
    %slice3A_97 = vector.extract_strided_slice %select_n3A_29 {offsets = [128, 0], sizes = [16, 128], strides = [1, 1]} : vector<256x128xf32> to vector<16x128xf32>
    %swap3A_98 = arith.constant 544 : index
    %swap3A_99 = arith.constant 0 : index
    %swap3A_100 = vector.load %arg2[%swap3A_98, %swap3A_99] : memref<1024x128xf32, #tpu.memory_space<vmem>>, vector<16x128xf32>
    tpu.vector_store %arg2[%swap3A_98, %swap3A_99], %slice3A_97 {strides = array<i32>} : memref<1024x128xf32, #tpu.memory_space<vmem>>, vector<16x128xf32>,
    %slice3A_101 = vector.extract_strided_slice %select_n3A {offsets = [144, 0], sizes = [16, 128], strides = [1, 1]} : vector<256x128xf32> to vector<16x128xf32>
    %swap3A_102 = arith.constant 576 : index
    %swap3A_103 = arith.constant 0 : index
    %swap3A_104 = vector.load %arg2[%swap3A_102, %swap3A_103] : memref<1024x128xf32, #tpu.memory_space<vmem>>, vector<16x128xf32>
    tpu.vector_store %arg2[%swap3A_102, %swap3A_103], %slice3A_101 {strides = array<i32>} : memref<1024x128xf32, #tpu.memory_space<vmem>>, vector<16x128xf32>,
    %slice3A_105 = vector.extract_strided_slice %select_n3A_29 {offsets = [144, 0], sizes = [16, 128], strides = [1, 1]} : vector<256x128xf32> to vector<16x128xf32>
    %swap3A_106 = arith.constant 608 : index
    %swap3A_107 = arith.constant 0 : index
    %swap3A_108 = vector.load %arg2[%swap3A_106, %swap3A_107] : memref<1024x128xf32, #tpu.memory_space<vmem>>, vector<16x128xf32>
    tpu.vector_store %arg2[%swap3A_106, %swap3A_107], %slice3A_105 {strides = array<i32>} : memref<1024x128xf32, #tpu.memory_space<vmem>>, vector<16x128xf32>,
    %slice3A_109 = vector.extract_strided_slice %select_n3A {offsets = [160, 0], sizes = [16, 128], strides = [1, 1]} : vector<256x128xf32> to vector<16x128xf32>
    %swap3A_110 = arith.constant 640 : index
    %swap3A_111 = arith.constant 0 : index
    %swap3A_112 = vector.load %arg2[%swap3A_110, %swap3A_111] : memref<1024x128xf32, #tpu.memory_space<vmem>>, vector<16x128xf32>
    tpu.vector_store %arg2[%swap3A_110, %swap3A_111], %slice3A_109 {strides = array<i32>} : memref<1024x128xf32, #tpu.memory_space<vmem>>, vector<16x128xf32>,
    %slice3A_113 = vector.extract_strided_slice %select_n3A_29 {offsets = [160, 0], sizes = [16, 128], strides = [1, 1]} : vector<256x128xf32> to vector<16x128xf32>
    %swap3A_114 = arith.constant 672 : index
    %swap3A_115 = arith.constant 0 : index
    %swap3A_116 = vector.load %arg2[%swap3A_114, %swap3A_115] : memref<1024x128xf32, #tpu.memory_space<vmem>>, vector<16x128xf32>
    tpu.vector_store %arg2[%swap3A_114, %swap3A_115], %slice3A_113 {strides = array<i32>} : memref<1024x128xf32, #tpu.memory_space<vmem>>, vector<16x128xf32>,
    %slice3A_117 = vector.extract_strided_slice %select_n3A {offsets = [176, 0], sizes = [16, 128], strides = [1, 1]} : vector<256x128xf32> to vector<16x128xf32>
    %swap3A_118 = arith.constant 704 : index
    %swap3A_119 = arith.constant 0 : index
    %swap3A_120 = vector.load %arg2[%swap3A_118, %swap3A_119] : memref<1024x128xf32, #tpu.memory_space<vmem>>, vector<16x128xf32>
    tpu.vector_store %arg2[%swap3A_118, %swap3A_119], %slice3A_117 {strides = array<i32>} : memref<1024x128xf32, #tpu.memory_space<vmem>>, vector<16x128xf32>,
    %slice3A_121 = vector.extract_strided_slice %select_n3A_29 {offsets = [176, 0], sizes = [16, 128], strides = [1, 1]} : vector<256x128xf32> to vector<16x128xf32>
    %swap3A_122 = arith.constant 736 : index
    %swap3A_123 = arith.constant 0 : index
    %swap3A_124 = vector.load %arg2[%swap3A_122, %swap3A_123] : memref<1024x128xf32, #tpu.memory_space<vmem>>, vector<16x128xf32>
    tpu.vector_store %arg2[%swap3A_122, %swap3A_123], %slice3A_121 {strides = array<i32>} : memref<1024x128xf32, #tpu.memory_space<vmem>>, vector<16x128xf32>,
    %slice3A_125 = vector.extract_strided_slice %select_n3A {offsets = [192, 0], sizes = [16, 128], strides = [1, 1]} : vector<256x128xf32> to vector<16x128xf32>
    %swap3A_126 = arith.constant 768 : index
    %swap3A_127 = arith.constant 0 : index
    %swap3A_128 = vector.load %arg2[%swap3A_126, %swap3A_127] : memref<1024x128xf32, #tpu.memory_space<vmem>>, vector<16x128xf32>
    tpu.vector_store %arg2[%swap3A_126, %swap3A_127], %slice3A_125 {strides = array<i32>} : memref<1024x128xf32, #tpu.memory_space<vmem>>, vector<16x128xf32>,
    %slice3A_129 = vector.extract_strided_slice %select_n3A_29 {offsets = [192, 0], sizes = [16, 128], strides = [1, 1]} : vector<256x128xf32> to vector<16x128xf32>
    %swap3A_130 = arith.constant 800 : index
    %swap3A_131 = arith.constant 0 : index
    %swap3A_132 = vector.load %arg2[%swap3A_130, %swap3A_131] : memref<1024x128xf32, #tpu.memory_space<vmem>>, vector<16x128xf32>
    tpu.vector_store %arg2[%swap3A_130, %swap3A_131], %slice3A_129 {strides = array<i32>} : memref<1024x128xf32, #tpu.memory_space<vmem>>, vector<16x128xf32>,
    %slice3A_133 = vector.extract_strided_slice %select_n3A {offsets = [208, 0], sizes = [16, 128], strides = [1, 1]} : vector<256x128xf32> to vector<16x128xf32>
    %swap3A_134 = arith.constant 832 : index
    %swap3A_135 = arith.constant 0 : index
    %swap3A_136 = vector.load %arg2[%swap3A_134, %swap3A_135] : memref<1024x128xf32, #tpu.memory_space<vmem>>, vector<16x128xf32>
    tpu.vector_store %arg2[%swap3A_134, %swap3A_135], %slice3A_133 {strides = array<i32>} : memref<1024x128xf32, #tpu.memory_space<vmem>>, vector<16x128xf32>,
    %slice3A_137 = vector.extract_strided_slice %select_n3A_29 {offsets = [208, 0], sizes = [16, 128], strides = [1, 1]} : vector<256x128xf32> to vector<16x128xf32>
    %swap3A_138 = arith.constant 864 : index
    %swap3A_139 = arith.constant 0 : index
    %swap3A_140 = vector.load %arg2[%swap3A_138, %swap3A_139] : memref<1024x128xf32, #tpu.memory_space<vmem>>, vector<16x128xf32>
    tpu.vector_store %arg2[%swap3A_138, %swap3A_139], %slice3A_137 {strides = array<i32>} : memref<1024x128xf32, #tpu.memory_space<vmem>>, vector<16x128xf32>,
    %slice3A_141 = vector.extract_strided_slice %select_n3A {offsets = [224, 0], sizes = [16, 128], strides = [1, 1]} : vector<256x128xf32> to vector<16x128xf32>
    %swap3A_142 = arith.constant 896 : index
    %swap3A_143 = arith.constant 0 : index
    %swap3A_144 = vector.load %arg2[%swap3A_142, %swap3A_143] : memref<1024x128xf32, #tpu.memory_space<vmem>>, vector<16x128xf32>
    tpu.vector_store %arg2[%swap3A_142, %swap3A_143], %slice3A_141 {strides = array<i32>} : memref<1024x128xf32, #tpu.memory_space<vmem>>, vector<16x128xf32>,
    %slice3A_145 = vector.extract_strided_slice %select_n3A_29 {offsets = [224, 0], sizes = [16, 128], strides = [1, 1]} : vector<256x128xf32> to vector<16x128xf32>
    %swap3A_146 = arith.constant 928 : index
    %swap3A_147 = arith.constant 0 : index
    %swap3A_148 = vector.load %arg2[%swap3A_146, %swap3A_147] : memref<1024x128xf32, #tpu.memory_space<vmem>>, vector<16x128xf32>
    tpu.vector_store %arg2[%swap3A_146, %swap3A_147], %slice3A_145 {strides = array<i32>} : memref<1024x128xf32, #tpu.memory_space<vmem>>, vector<16x128xf32>,
    %slice3A_149 = vector.extract_strided_slice %select_n3A {offsets = [240, 0], sizes = [16, 128], strides = [1, 1]} : vector<256x128xf32> to vector<16x128xf32>
    %swap3A_150 = arith.constant 960 : index
    %swap3A_151 = arith.constant 0 : index
    %swap3A_152 = vector.load %arg2[%swap3A_150, %swap3A_151] : memref<1024x128xf32, #tpu.memory_space<vmem>>, vector<16x128xf32>
    tpu.vector_store %arg2[%swap3A_150, %swap3A_151], %slice3A_149 {strides = array<i32>} : memref<1024x128xf32, #tpu.memory_space<vmem>>, vector<16x128xf32>,
    %slice3A_153 = vector.extract_strided_slice %select_n3A_29 {offsets = [240, 0], sizes = [16, 128], strides = [1, 1]} : vector<256x128xf32> to vector<16x128xf32>
    %swap3A_154 = arith.constant 992 : index
    %swap3A_155 = arith.constant 0 : index
    %swap3A_156 = vector.load %arg2[%swap3A_154, %swap3A_155] : memref<1024x128xf32, #tpu.memory_space<vmem>>, vector<16x128xf32>
    tpu.vector_store %arg2[%swap3A_154, %swap3A_155], %slice3A_153 {strides = array<i32>} : memref<1024x128xf32, #tpu.memory_space<vmem>>, vector<16x128xf32>,
    %slice3A_157 = vector.extract_strided_slice %get3A_1 {offsets = [128, 0], sizes = [128, 256], strides = [1, 1]} : vector<256x256xf32> to vector<128x256xf32>
    %slice3A_158 = vector.extract_strided_slice %reduce_sum3A_6 {offsets = [128], sizes = [128], strides = [1]} : vector<256xf32> to vector<128xf32>
    %slice3A_159 = vector.extract_strided_slice %get3A_5 {offsets = [128], sizes = [128], strides = [1]} : vector<256xi32> to vector<128xi32>
    %dot_general3A_160 = arith.constant dense<0.000000e+00> : vector<256x128xf32>
    %dot_general3A_161 = tpu.matmul %get3A_1, %slice3A_157, %dot_general3A_160 {dimension_numbers = #tpu.dot_dimension_numbers<[1], [1], [0], [0], [0, 0, 1, 0], [], []>, transpose_lhs_hint = false} : vector<256x256xf32>, vector<128x256xf32>, vector<256x128xf32> -> vector<256x128xf32>
    %broadcast_in_dim3A_162 = vector.shape_cast %reduce_sum3A_6 : vector<256xf32> to vector<256x1xf32>
    %broadcast_in_dim3A_163 = vector.shape_cast %slice3A_158 : vector<128xf32> to vector<1x128xf32>
    %add3A_164 = vector.broadcast %broadcast_in_dim3A_162 : vector<256x1xf32> to vector<256x128xf32>
    %add3A_165 = vector.broadcast %broadcast_in_dim3A_163 : vector<1x128xf32> to vector<256x128xf32>
    %add3A_166 = arith.addf %add3A_164, %add3A_165 : vector<256x128xf32>
    %mul3A_167 = arith.constant 2.000000e+00 : f32
    %mul3A_168 = vector.broadcast %mul3A_167 : f32 to vector<256x128xf32>
    %mul3A_169 = arith.mulf %mul3A_168, %dot_general3A_161 : vector<256x128xf32>
    %sub3A_170 = arith.subf %add3A_166, %mul3A_169 : vector<256x128xf32>
    %max3A_171 = arith.constant 0.000000e+00 : f32
    %max3A_172 = vector.broadcast %max3A_171 : f32 to vector<256x128xf32>
    %max3A_173 = arith.maximumf %sub3A_170, %max3A_172 : vector<256x128xf32>
    %broadcast_in_dim3A_174 = vector.shape_cast %get3A_5 : vector<256xi32> to vector<256x1xi32>
    %broadcast_in_dim3A_175 = vector.shape_cast %slice3A_159 : vector<128xi32> to vector<1x128xi32>
    %eq3A_176 = vector.broadcast %broadcast_in_dim3A_174 : vector<256x1xi32> to vector<256x128xi32>
    %eq3A_177 = vector.broadcast %broadcast_in_dim3A_175 : vector<1x128xi32> to vector<256x128xi32>
    %eq3A_178 = arith.cmpi eq, %eq3A_176, %eq3A_177 : vector<256x128xi32>
    %add3A_179 = arith.constant 128 : i32
    %add3A_180 = vector.broadcast %add3A_179 : i32 to vector<256x128xi32>
    %add3A_181 = arith.addi %iota3A_7, %add3A_180 : vector<256x128xi32>
    %ne3A_182 = arith.cmpi ne, %iota3A, %add3A_181 : vector<256x128xi32>
    %and3A_183 = arith.andi %eq3A_178, %ne3A_182 : vector<256x128xi1>
    %jit3A_184 = arith.constant -1.000000e+30 : f32
    %broadcast_in_dim3A_185 = vector.broadcast %jit3A_184 : f32 to vector<256x128xf32>
    %select_n3A_186 = arith.select %and3A_183, %max3A_173, %broadcast_in_dim3A_185 : vector<256x128xi1>, vector<256x128xf32>
    %jit3A_187 = arith.constant 1.000000e+30 : f32
    %broadcast_in_dim3A_188 = vector.broadcast %jit3A_187 : f32 to vector<256x128xf32>
    %select_n3A_189 = arith.select %eq3A_178, %broadcast_in_dim3A_188, %max3A_173 : vector<256x128xi1>, vector<256x128xf32>
    %slice3A_190 = vector.extract_strided_slice %select_n3A_186 {offsets = [0, 0], sizes = [16, 128], strides = [1, 1]} : vector<256x128xf32> to vector<16x128xf32>
    %swap3A_191 = arith.constant 16 : index
    %swap3A_192 = arith.constant 0 : index
    %swap3A_193 = vector.load %arg2[%swap3A_191, %swap3A_192] : memref<1024x128xf32, #tpu.memory_space<vmem>>, vector<16x128xf32>
    tpu.vector_store %arg2[%swap3A_191, %swap3A_192], %slice3A_190 {strides = array<i32>} : memref<1024x128xf32, #tpu.memory_space<vmem>>, vector<16x128xf32>,
    %slice3A_194 = vector.extract_strided_slice %select_n3A_189 {offsets = [0, 0], sizes = [16, 128], strides = [1, 1]} : vector<256x128xf32> to vector<16x128xf32>
    %swap3A_195 = arith.constant 48 : index
    %swap3A_196 = arith.constant 0 : index
    %swap3A_197 = vector.load %arg2[%swap3A_195, %swap3A_196] : memref<1024x128xf32, #tpu.memory_space<vmem>>, vector<16x128xf32>
    tpu.vector_store %arg2[%swap3A_195, %swap3A_196], %slice3A_194 {strides = array<i32>} : memref<1024x128xf32, #tpu.memory_space<vmem>>, vector<16x128xf32>,
    %slice3A_198 = vector.extract_strided_slice %select_n3A_186 {offsets = [16, 0], sizes = [16, 128], strides = [1, 1]} : vector<256x128xf32> to vector<16x128xf32>
    %swap3A_199 = arith.constant 80 : index
    %swap3A_200 = arith.constant 0 : index
    %swap3A_201 = vector.load %arg2[%swap3A_199, %swap3A_200] : memref<1024x128xf32, #tpu.memory_space<vmem>>, vector<16x128xf32>
    tpu.vector_store %arg2[%swap3A_199, %swap3A_200], %slice3A_198 {strides = array<i32>} : memref<1024x128xf32, #tpu.memory_space<vmem>>, vector<16x128xf32>,
    %slice3A_202 = vector.extract_strided_slice %select_n3A_189 {offsets = [16, 0], sizes = [16, 128], strides = [1, 1]} : vector<256x128xf32> to vector<16x128xf32>
    %swap3A_203 = arith.constant 112 : index
    %swap3A_204 = arith.constant 0 : index
    %swap3A_205 = vector.load %arg2[%swap3A_203, %swap3A_204] : memref<1024x128xf32, #tpu.memory_space<vmem>>, vector<16x128xf32>
    tpu.vector_store %arg2[%swap3A_203, %swap3A_204], %slice3A_202 {strides = array<i32>} : memref<1024x128xf32, #tpu.memory_space<vmem>>, vector<16x128xf32>,
    %slice3A_206 = vector.extract_strided_slice %select_n3A_186 {offsets = [32, 0], sizes = [16, 128], strides = [1, 1]} : vector<256x128xf32> to vector<16x128xf32>
    %swap3A_207 = arith.constant 144 : index
    %swap3A_208 = arith.constant 0 : index
    %swap3A_209 = vector.load %arg2[%swap3A_207, %swap3A_208] : memref<1024x128xf32, #tpu.memory_space<vmem>>, vector<16x128xf32>
    tpu.vector_store %arg2[%swap3A_207, %swap3A_208], %slice3A_206 {strides = array<i32>} : memref<1024x128xf32, #tpu.memory_space<vmem>>, vector<16x128xf32>,
    %slice3A_210 = vector.extract_strided_slice %select_n3A_189 {offsets = [32, 0], sizes = [16, 128], strides = [1, 1]} : vector<256x128xf32> to vector<16x128xf32>
    %swap3A_211 = arith.constant 176 : index
    %swap3A_212 = arith.constant 0 : index
    %swap3A_213 = vector.load %arg2[%swap3A_211, %swap3A_212] : memref<1024x128xf32, #tpu.memory_space<vmem>>, vector<16x128xf32>
    tpu.vector_store %arg2[%swap3A_211, %swap3A_212], %slice3A_210 {strides = array<i32>} : memref<1024x128xf32, #tpu.memory_space<vmem>>, vector<16x128xf32>,
    %slice3A_214 = vector.extract_strided_slice %select_n3A_186 {offsets = [48, 0], sizes = [16, 128], strides = [1, 1]} : vector<256x128xf32> to vector<16x128xf32>
    %swap3A_215 = arith.constant 208 : index
    %swap3A_216 = arith.constant 0 : index
    %swap3A_217 = vector.load %arg2[%swap3A_215, %swap3A_216] : memref<1024x128xf32, #tpu.memory_space<vmem>>, vector<16x128xf32>
    tpu.vector_store %arg2[%swap3A_215, %swap3A_216], %slice3A_214 {strides = array<i32>} : memref<1024x128xf32, #tpu.memory_space<vmem>>, vector<16x128xf32>,
    %slice3A_218 = vector.extract_strided_slice %select_n3A_189 {offsets = [48, 0], sizes = [16, 128], strides = [1, 1]} : vector<256x128xf32> to vector<16x128xf32>
    %swap3A_219 = arith.constant 240 : index
    %swap3A_220 = arith.constant 0 : index
    %swap3A_221 = vector.load %arg2[%swap3A_219, %swap3A_220] : memref<1024x128xf32, #tpu.memory_space<vmem>>, vector<16x128xf32>
    tpu.vector_store %arg2[%swap3A_219, %swap3A_220], %slice3A_218 {strides = array<i32>} : memref<1024x128xf32, #tpu.memory_space<vmem>>, vector<16x128xf32>,
    %slice3A_222 = vector.extract_strided_slice %select_n3A_186 {offsets = [64, 0], sizes = [16, 128], strides = [1, 1]} : vector<256x128xf32> to vector<16x128xf32>
    %swap3A_223 = arith.constant 272 : index
    %swap3A_224 = arith.constant 0 : index
    %swap3A_225 = vector.load %arg2[%swap3A_223, %swap3A_224] : memref<1024x128xf32, #tpu.memory_space<vmem>>, vector<16x128xf32>
    tpu.vector_store %arg2[%swap3A_223, %swap3A_224], %slice3A_222 {strides = array<i32>} : memref<1024x128xf32, #tpu.memory_space<vmem>>, vector<16x128xf32>,
    %slice3A_226 = vector.extract_strided_slice %select_n3A_189 {offsets = [64, 0], sizes = [16, 128], strides = [1, 1]} : vector<256x128xf32> to vector<16x128xf32>
    %swap3A_227 = arith.constant 304 : index
    %swap3A_228 = arith.constant 0 : index
    %swap3A_229 = vector.load %arg2[%swap3A_227, %swap3A_228] : memref<1024x128xf32, #tpu.memory_space<vmem>>, vector<16x128xf32>
    tpu.vector_store %arg2[%swap3A_227, %swap3A_228], %slice3A_226 {strides = array<i32>} : memref<1024x128xf32, #tpu.memory_space<vmem>>, vector<16x128xf32>,
    %slice3A_230 = vector.extract_strided_slice %select_n3A_186 {offsets = [80, 0], sizes = [16, 128], strides = [1, 1]} : vector<256x128xf32> to vector<16x128xf32>
    %swap3A_231 = arith.constant 336 : index
    %swap3A_232 = arith.constant 0 : index
    %swap3A_233 = vector.load %arg2[%swap3A_231, %swap3A_232] : memref<1024x128xf32, #tpu.memory_space<vmem>>, vector<16x128xf32>
    tpu.vector_store %arg2[%swap3A_231, %swap3A_232], %slice3A_230 {strides = array<i32>} : memref<1024x128xf32, #tpu.memory_space<vmem>>, vector<16x128xf32>,
    %slice3A_234 = vector.extract_strided_slice %select_n3A_189 {offsets = [80, 0], sizes = [16, 128], strides = [1, 1]} : vector<256x128xf32> to vector<16x128xf32>
    %swap3A_235 = arith.constant 368 : index
    %swap3A_236 = arith.constant 0 : index
    %swap3A_237 = vector.load %arg2[%swap3A_235, %swap3A_236] : memref<1024x128xf32, #tpu.memory_space<vmem>>, vector<16x128xf32>
    tpu.vector_store %arg2[%swap3A_235, %swap3A_236], %slice3A_234 {strides = array<i32>} : memref<1024x128xf32, #tpu.memory_space<vmem>>, vector<16x128xf32>,
    %slice3A_238 = vector.extract_strided_slice %select_n3A_186 {offsets = [96, 0], sizes = [16, 128], strides = [1, 1]} : vector<256x128xf32> to vector<16x128xf32>
    %swap3A_239 = arith.constant 400 : index
    %swap3A_240 = arith.constant 0 : index
    %swap3A_241 = vector.load %arg2[%swap3A_239, %swap3A_240] : memref<1024x128xf32, #tpu.memory_space<vmem>>, vector<16x128xf32>
    tpu.vector_store %arg2[%swap3A_239, %swap3A_240], %slice3A_238 {strides = array<i32>} : memref<1024x128xf32, #tpu.memory_space<vmem>>, vector<16x128xf32>,
    %slice3A_242 = vector.extract_strided_slice %select_n3A_189 {offsets = [96, 0], sizes = [16, 128], strides = [1, 1]} : vector<256x128xf32> to vector<16x128xf32>
    %swap3A_243 = arith.constant 432 : index
    %swap3A_244 = arith.constant 0 : index
    %swap3A_245 = vector.load %arg2[%swap3A_243, %swap3A_244] : memref<1024x128xf32, #tpu.memory_space<vmem>>, vector<16x128xf32>
    tpu.vector_store %arg2[%swap3A_243, %swap3A_244], %slice3A_242 {strides = array<i32>} : memref<1024x128xf32, #tpu.memory_space<vmem>>, vector<16x128xf32>,
    %slice3A_246 = vector.extract_strided_slice %select_n3A_186 {offsets = [112, 0], sizes = [16, 128], strides = [1, 1]} : vector<256x128xf32> to vector<16x128xf32>
    %swap3A_247 = arith.constant 464 : index
    %swap3A_248 = arith.constant 0 : index
    %swap3A_249 = vector.load %arg2[%swap3A_247, %swap3A_248] : memref<1024x128xf32, #tpu.memory_space<vmem>>, vector<16x128xf32>
    tpu.vector_store %arg2[%swap3A_247, %swap3A_248], %slice3A_246 {strides = array<i32>} : memref<1024x128xf32, #tpu.memory_space<vmem>>, vector<16x128xf32>,
    %slice3A_250 = vector.extract_strided_slice %select_n3A_189 {offsets = [112, 0], sizes = [16, 128], strides = [1, 1]} : vector<256x128xf32> to vector<16x128xf32>
    %swap3A_251 = arith.constant 496 : index
    %swap3A_252 = arith.constant 0 : index
    %swap3A_253 = vector.load %arg2[%swap3A_251, %swap3A_252] : memref<1024x128xf32, #tpu.memory_space<vmem>>, vector<16x128xf32>
    tpu.vector_store %arg2[%swap3A_251, %swap3A_252], %slice3A_250 {strides = array<i32>} : memref<1024x128xf32, #tpu.memory_space<vmem>>, vector<16x128xf32>,
    %slice3A_254 = vector.extract_strided_slice %select_n3A_186 {offsets = [128, 0], sizes = [16, 128], strides = [1, 1]} : vector<256x128xf32> to vector<16x128xf32>
    %swap3A_255 = arith.constant 528 : index
    %swap3A_256 = arith.constant 0 : index
    %swap3A_257 = vector.load %arg2[%swap3A_255, %swap3A_256] : memref<1024x128xf32, #tpu.memory_space<vmem>>, vector<16x128xf32>
    tpu.vector_store %arg2[%swap3A_255, %swap3A_256], %slice3A_254 {strides = array<i32>} : memref<1024x128xf32, #tpu.memory_space<vmem>>, vector<16x128xf32>,
    %slice3A_258 = vector.extract_strided_slice %select_n3A_189 {offsets = [128, 0], sizes = [16, 128], strides = [1, 1]} : vector<256x128xf32> to vector<16x128xf32>
    %swap3A_259 = arith.constant 560 : index
    %swap3A_260 = arith.constant 0 : index
    %swap3A_261 = vector.load %arg2[%swap3A_259, %swap3A_260] : memref<1024x128xf32, #tpu.memory_space<vmem>>, vector<16x128xf32>
    tpu.vector_store %arg2[%swap3A_259, %swap3A_260], %slice3A_258 {strides = array<i32>} : memref<1024x128xf32, #tpu.memory_space<vmem>>, vector<16x128xf32>,
    %slice3A_262 = vector.extract_strided_slice %select_n3A_186 {offsets = [144, 0], sizes = [16, 128], strides = [1, 1]} : vector<256x128xf32> to vector<16x128xf32>
    %swap3A_263 = arith.constant 592 : index
    %swap3A_264 = arith.constant 0 : index
    %swap3A_265 = vector.load %arg2[%swap3A_263, %swap3A_264] : memref<1024x128xf32, #tpu.memory_space<vmem>>, vector<16x128xf32>
    tpu.vector_store %arg2[%swap3A_263, %swap3A_264], %slice3A_262 {strides = array<i32>} : memref<1024x128xf32, #tpu.memory_space<vmem>>, vector<16x128xf32>,
    %slice3A_266 = vector.extract_strided_slice %select_n3A_189 {offsets = [144, 0], sizes = [16, 128], strides = [1, 1]} : vector<256x128xf32> to vector<16x128xf32>
    %swap3A_267 = arith.constant 624 : index
    %swap3A_268 = arith.constant 0 : index
    %swap3A_269 = vector.load %arg2[%swap3A_267, %swap3A_268] : memref<1024x128xf32, #tpu.memory_space<vmem>>, vector<16x128xf32>
    tpu.vector_store %arg2[%swap3A_267, %swap3A_268], %slice3A_266 {strides = array<i32>} : memref<1024x128xf32, #tpu.memory_space<vmem>>, vector<16x128xf32>,
    %slice3A_270 = vector.extract_strided_slice %select_n3A_186 {offsets = [160, 0], sizes = [16, 128], strides = [1, 1]} : vector<256x128xf32> to vector<16x128xf32>
    %swap3A_271 = arith.constant 656 : index
    %swap3A_272 = arith.constant 0 : index
    %swap3A_273 = vector.load %arg2[%swap3A_271, %swap3A_272] : memref<1024x128xf32, #tpu.memory_space<vmem>>, vector<16x128xf32>
    tpu.vector_store %arg2[%swap3A_271, %swap3A_272], %slice3A_270 {strides = array<i32>} : memref<1024x128xf32, #tpu.memory_space<vmem>>, vector<16x128xf32>,
    %slice3A_274 = vector.extract_strided_slice %select_n3A_189 {offsets = [160, 0], sizes = [16, 128], strides = [1, 1]} : vector<256x128xf32> to vector<16x128xf32>
    %swap3A_275 = arith.constant 688 : index
    %swap3A_276 = arith.constant 0 : index
    %swap3A_277 = vector.load %arg2[%swap3A_275, %swap3A_276] : memref<1024x128xf32, #tpu.memory_space<vmem>>, vector<16x128xf32>
    tpu.vector_store %arg2[%swap3A_275, %swap3A_276], %slice3A_274 {strides = array<i32>} : memref<1024x128xf32, #tpu.memory_space<vmem>>, vector<16x128xf32>,
    %slice3A_278 = vector.extract_strided_slice %select_n3A_186 {offsets = [176, 0], sizes = [16, 128], strides = [1, 1]} : vector<256x128xf32> to vector<16x128xf32>
    %swap3A_279 = arith.constant 720 : index
    %swap3A_280 = arith.constant 0 : index
    %swap3A_281 = vector.load %arg2[%swap3A_279, %swap3A_280] : memref<1024x128xf32, #tpu.memory_space<vmem>>, vector<16x128xf32>
    tpu.vector_store %arg2[%swap3A_279, %swap3A_280], %slice3A_278 {strides = array<i32>} : memref<1024x128xf32, #tpu.memory_space<vmem>>, vector<16x128xf32>,
    %slice3A_282 = vector.extract_strided_slice %select_n3A_189 {offsets = [176, 0], sizes = [16, 128], strides = [1, 1]} : vector<256x128xf32> to vector<16x128xf32>
    %swap3A_283 = arith.constant 752 : index
    %swap3A_284 = arith.constant 0 : index
    %swap3A_285 = vector.load %arg2[%swap3A_283, %swap3A_284] : memref<1024x128xf32, #tpu.memory_space<vmem>>, vector<16x128xf32>
    tpu.vector_store %arg2[%swap3A_283, %swap3A_284], %slice3A_282 {strides = array<i32>} : memref<1024x128xf32, #tpu.memory_space<vmem>>, vector<16x128xf32>,
    %slice3A_286 = vector.extract_strided_slice %select_n3A_186 {offsets = [192, 0], sizes = [16, 128], strides = [1, 1]} : vector<256x128xf32> to vector<16x128xf32>
    %swap3A_287 = arith.constant 784 : index
    %swap3A_288 = arith.constant 0 : index
    %swap3A_289 = vector.load %arg2[%swap3A_287, %swap3A_288] : memref<1024x128xf32, #tpu.memory_space<vmem>>, vector<16x128xf32>
    tpu.vector_store %arg2[%swap3A_287, %swap3A_288], %slice3A_286 {strides = array<i32>} : memref<1024x128xf32, #tpu.memory_space<vmem>>, vector<16x128xf32>,
    %slice3A_290 = vector.extract_strided_slice %select_n3A_189 {offsets = [192, 0], sizes = [16, 128], strides = [1, 1]} : vector<256x128xf32> to vector<16x128xf32>
    %swap3A_291 = arith.constant 816 : index
    %swap3A_292 = arith.constant 0 : index
    %swap3A_293 = vector.load %arg2[%swap3A_291, %swap3A_292] : memref<1024x128xf32, #tpu.memory_space<vmem>>, vector<16x128xf32>
    tpu.vector_store %arg2[%swap3A_291, %swap3A_292], %slice3A_290 {strides = array<i32>} : memref<1024x128xf32, #tpu.memory_space<vmem>>, vector<16x128xf32>,
    %slice3A_294 = vector.extract_strided_slice %select_n3A_186 {offsets = [208, 0], sizes = [16, 128], strides = [1, 1]} : vector<256x128xf32> to vector<16x128xf32>
    %swap3A_295 = arith.constant 848 : index
    %swap3A_296 = arith.constant 0 : index
    %swap3A_297 = vector.load %arg2[%swap3A_295, %swap3A_296] : memref<1024x128xf32, #tpu.memory_space<vmem>>, vector<16x128xf32>
    tpu.vector_store %arg2[%swap3A_295, %swap3A_296], %slice3A_294 {strides = array<i32>} : memref<1024x128xf32, #tpu.memory_space<vmem>>, vector<16x128xf32>,
    %slice3A_298 = vector.extract_strided_slice %select_n3A_189 {offsets = [208, 0], sizes = [16, 128], strides = [1, 1]} : vector<256x128xf32> to vector<16x128xf32>
    %swap3A_299 = arith.constant 880 : index
    %swap3A_300 = arith.constant 0 : index
    %swap3A_301 = vector.load %arg2[%swap3A_299, %swap3A_300] : memref<1024x128xf32, #tpu.memory_space<vmem>>, vector<16x128xf32>
    tpu.vector_store %arg2[%swap3A_299, %swap3A_300], %slice3A_298 {strides = array<i32>} : memref<1024x128xf32, #tpu.memory_space<vmem>>, vector<16x128xf32>,
    %slice3A_302 = vector.extract_strided_slice %select_n3A_186 {offsets = [224, 0], sizes = [16, 128], strides = [1, 1]} : vector<256x128xf32> to vector<16x128xf32>
    %swap3A_303 = arith.constant 912 : index
    %swap3A_304 = arith.constant 0 : index
    %swap3A_305 = vector.load %arg2[%swap3A_303, %swap3A_304] : memref<1024x128xf32, #tpu.memory_space<vmem>>, vector<16x128xf32>
    tpu.vector_store %arg2[%swap3A_303, %swap3A_304], %slice3A_302 {strides = array<i32>} : memref<1024x128xf32, #tpu.memory_space<vmem>>, vector<16x128xf32>,
    %slice3A_306 = vector.extract_strided_slice %select_n3A_189 {offsets = [224, 0], sizes = [16, 128], strides = [1, 1]} : vector<256x128xf32> to vector<16x128xf32>
    %swap3A_307 = arith.constant 944 : index
    %swap3A_308 = arith.constant 0 : index
    %swap3A_309 = vector.load %arg2[%swap3A_307, %swap3A_308] : memref<1024x128xf32, #tpu.memory_space<vmem>>, vector<16x128xf32>
    tpu.vector_store %arg2[%swap3A_307, %swap3A_308], %slice3A_306 {strides = array<i32>} : memref<1024x128xf32, #tpu.memory_space<vmem>>, vector<16x128xf32>,
    %slice3A_310 = vector.extract_strided_slice %select_n3A_186 {offsets = [240, 0], sizes = [16, 128], strides = [1, 1]} : vector<256x128xf32> to vector<16x128xf32>
    %swap3A_311 = arith.constant 976 : index
    %swap3A_312 = arith.constant 0 : index
    %swap3A_313 = vector.load %arg2[%swap3A_311, %swap3A_312] : memref<1024x128xf32, #tpu.memory_space<vmem>>, vector<16x128xf32>
    tpu.vector_store %arg2[%swap3A_311, %swap3A_312], %slice3A_310 {strides = array<i32>} : memref<1024x128xf32, #tpu.memory_space<vmem>>, vector<16x128xf32>,
    %slice3A_314 = vector.extract_strided_slice %select_n3A_189 {offsets = [240, 0], sizes = [16, 128], strides = [1, 1]} : vector<256x128xf32> to vector<16x128xf32>
    %swap3A_315 = arith.constant 1008 : index
    %swap3A_316 = arith.constant 0 : index
    %swap3A_317 = vector.load %arg2[%swap3A_315, %swap3A_316] : memref<1024x128xf32, #tpu.memory_space<vmem>>, vector<16x128xf32>
    tpu.vector_store %arg2[%swap3A_315, %swap3A_316], %slice3A_314 {strides = array<i32>} : memref<1024x128xf32, #tpu.memory_space<vmem>>, vector<16x128xf32>,
    return
  }
}

</mosaic_0001>

<sc_bundles>
// kernel: kernel.4.cloned.1.call-start
scs
__scs_entry_jumppad:
0x0: {  	(pc) =	sbr.rel $0x88, $3  }
0x1: {  	(tag) =	ssettag $0x0;
	lr =	simm.s32 $0x1  }
0x2: {  	[smem:$0x3F9F] =	sst lr;
	_ =	strace $0xD0000000  }
0x3: {  	_ = 	snop  }
0x4: {  	_ = 	snop  }
0x5: {  	_ = 	snop  }
0x6: {  	_ = 	snop  }
0x7: {  	_ = 	snop  }
__scs_overlays_trampoline_lowered:
0x8: {  	[smem:$0x3FAE] =	sst s0  }
0x9: {  	[smem:$0x3FAF] =	sst s1  }
0xa: {  	[smem:$0x3FB0] =	sst s2  }
0xb: {  	[smem:$0x3FB1] =	sst s3  }
0xc: {  	[smem:$0x3FB2] =	sst s4  }
0xd: {  	[smem:$0x3FB3] =	sst s5  }
0xe: {  	[smem:$0x3FB4] =	sst s6  }
0xf: {  	[smem:$0x3FB5] =	sst s7  }
0x10: {  	[smem:$0x3FB6] =	sst s8  }
0x11: {  	[smem:$0x3FB7] =	sst s9;
	s0 =	simm.s32 @!p0 $0x0  }
0x12: {  	s1 =	sld [smem:$0x3F9D];
	s0 =	simm.s32 @p0 $0x1  }
0x13: {  	[smem:$0x3FB8] =	sst s0;
	s0 =	simm.s32 @!p1 $0x0  }
0x14: {  	s2 =	sld [smem:$0x3F9C];
	s0 =	simm.s32 @p1 $0x1  }
0x15: {  	[smem:$0x3FB9] =	sst s0;
	s0 =	simm.s32 @!p2 $0x0  }
0x16: {  	s3 =	sld [smem:$0x3FDB];
	s0 =	simm.s32 @p2 $0x1  }
0x17: {  	s4 =	simm.s32 $0x1BF5;
	[smem:$0x3FBB] =	sst s0  }
0x18: {  	s0 =	sld [smem:$0x3F9E];
	_ =	swait.ge [sflag:s4], $0x0  }
0x19: {  	s7 =	sld [smem:$0x3F9F]  }
0x1a: {  	s8 =	sadd.s32 $0xFFFFE003, lr  }
0x1b: {  	s9 =	sadd.s32 $0xFFFFFEF7, lr;
	s5 =	simm.s32 $0xFFFFFFFF;
	p2 =	slt.u32 s8, $0xFFFFF086  }
0x1c: {  	p1 =	slt.u32 s9, $0xF7A;
	s5 =	simm.s32 @!p2 $0x0  }
0x1d: {  	s5 =	simm.s32 @p1 $0x1;
	p0 =	seq.s32 s7, s2  }
0x1e: {  	s7 =	smul.u32 @!p0 $0xF7A, s2;
	p2 =	seq.s32 @!p0 s5, $0x0  }
0x1f: {  	s9 =	smul.u32 $0xF7A, s1;
	s8 =	simm.s32 @!p0 $0x1BF5;
	p2 =	por !p2, p0  }
0x20: {  	[sflag:s8] =	ssyncset.s32 @!p0 $0xFFFFF086;
	s6 =	sadd.s32 @!p0 s3, s7;
	s7 =	simm.s32 @!p0 $0x108  }
0x21: {  	s3 =	sadd.s32 s3, s9;
	s6 =	sadd.s32 @!p0 $0x88, s6;
	s7 =	simm.s32 @p2 $0x1082  }
0x22: {  	[simem:s7], [sflag:s8] =	dma.local @!p0 [hbm:s6], $0xF7A  }
0x23: {  	s9 =	sor.u32 $0xD0000000, s2;
	s6 =	simm.s32 $0x108;
	_ =	swait.ge @!p0 [sflag:s8], $0x0  }
0x24: {  	s3 =	sadd.s32 $0x88, s3;
	s6 =	simm.s32 @!p1 $0x1082;
	[sflag:s4] =	ssyncset.s32 $0xFFFFF086  }
0x25: {  	[simem:s6], [sflag:s4] =	dma.local [hbm:s3], $0xF7A  }
0x26: {  	[smem:$0x3F9F] =	sst s1;
	(tag) =	ssettag s2;
	_ =	strace s9  }
0x27: {  	s1 =	sld [smem:$0x3FAF]  }
0x28: {  	s2 =	sld [smem:$0x3FB0]  }
0x29: {  	s4 =	sld [smem:$0x3FB2]  }
0x2a: {  	p0 =	seq.s32 s5, $0x0;
	s5 =	sld [smem:$0x3FB3]  }
0x2b: {  	s6 =	sld [smem:$0x3FB4]  }
0x2c: {  	s7 =	sld [smem:$0x3FB5]  }
0x2d: {  	s3 =	simm.s32 $0x108;
	s8 =	sld [smem:$0x3FB6]  }
0x2e: {  	s3 =	simm.s32 @!p0 $0x1082;
	s9 =	sld [smem:$0x3FB7]  }
0x2f: {  	lr =	sadd.s32 s0, s3;
	s0 =	sld [smem:$0x3FAE]  }
0x30: {  	s3 =	sld [smem:$0x3FB1]  }
0x31: {  	[smem:$0x3FBA] =	sst s10  }
0x32: {  	s10 =	sld [smem:$0x3FB8];
	_ =	sdelay $0x3  }
0x33: {  	p0 =	seq.s32 s10, $0x1;
	s10 =	sld [smem:$0x3FBA];
	_ =	sdelay $0x3  }
0x34: {  	[smem:$0x3FBA] =	sst s10  }
0x35: {  	s10 =	sld [smem:$0x3FB9];
	_ =	sdelay $0x3  }
0x36: {  	p1 =	seq.s32 s10, $0x1;
	s10 =	sld [smem:$0x3FBA];
	_ =	sdelay $0x3  }
0x37: {  	[smem:$0x3FBA] =	sst s10  }
0x38: {  	s10 =	sld [smem:$0x3FBB]  }
0x39: {  	_ = 	snop;
	(pc) =	sbr.ind lr, $3  }
0x3a: {  	_ = 	snop  }
0x3b: {  	_ = 	snop  }
0x3c: {  	p2 =	seq.s32 s10, $0x1;
	s10 =	sld [smem:$0x3FBA]  }
0x3d: {  	_ =	shalt  }
0x3e: {  	_ =	shalt  }
0x3f: {  	_ =	shalt  }
0x40: {  	_ =	shalt  }
0x41: {  	_ =	shalt  }
0x42: {  	_ =	shalt  }
0x43: {  	_ =	shalt  }
0x44: {  	_ =	shalt  }
0x45: {  	_ =	shalt  }
0x46: {  	_ =	shalt  }
0x47: {  	_ =	shalt  }
0x48: {  	_ =	shalt  }
0x49: {  	_ =	shalt  }
0x4a: {  	_ =	shalt  }
0x4b: {  	_ =	shalt  }
0x4c: {  	_ =	shalt  }
0x4d: {  	_ =	shalt  }
0x4e: {  	_ =	shalt  }
0x4f: {  	_ =	shalt  }
0x50: {  	_ =	shalt  }
0x51: {  	_ =	shalt  }
0x52: {  	_ =	shalt  }
0x53: {  	_ =	shalt  }
0x54: {  	_ =	shalt  }
0x55: {  	_ =	shalt  }
0x56: {  	_ =	shalt  }
0x57: {  	_ =	shalt  }
0x58: {  	_ =	shalt  }
0x59: {  	_ =	shalt  }
0x5a: {  	_ =	shalt  }
0x5b: {  	_ =	shalt  }
0x5c: {  	_ =	shalt  }
0x5d: {  	_ =	shalt  }
0x5e: {  	_ =	shalt  }
0x5f: {  	_ =	shalt  }
0x60: {  	_ =	shalt  }
0x61: {  	_ =	shalt  }
0x62: {  	_ =	shalt  }
0x63: {  	_ =	shalt  }
0x64: {  	_ =	shalt  }
0x65: {  	_ =	shalt  }
0x66: {  	_ =	shalt  }
0x67: {  	_ =	shalt  }
0x68: {  	_ =	shalt  }
0x69: {  	_ =	shalt  }
0x6a: {  	_ =	shalt  }
0x6b: {  	_ =	shalt  }
0x6c: {  	_ =	shalt  }
0x6d: {  	_ =	shalt  }
0x6e: {  	_ =	shalt  }
0x6f: {  	_ =	shalt  }
0x70: {  	_ =	shalt  }
0x71: {  	_ =	shalt  }
0x72: {  	_ =	shalt  }
0x73: {  	_ =	shalt  }
0x74: {  	_ =	shalt  }
0x75: {  	_ =	shalt  }
0x76: {  	_ =	shalt  }
0x77: {  	_ =	shalt  }
0x78: {  	_ =	shalt  }
0x79: {  	_ =	shalt  }
0x7a: {  	_ =	shalt  }
0x7b: {  	_ =	shalt  }
0x7c: {  	_ =	shalt  }
0x7d: {  	_ =	shalt  }
0x7e: {  	_ =	shalt  }
0x7f: {  	_ =	shalt  }
0x80: {  	_ =	shalt  }
0x81: {  	_ =	shalt  }
0x82: {  	_ =	shalt  }
0x83: {  	_ =	shalt  }
0x84: {  	_ =	shalt  }
0x85: {  	_ =	shalt  }
0x86: {  	_ =	shalt  }
0x87: {  	_ =	shalt  }
.Lfunc_end0:
.L_simem_size_0:
called_computation_lowered:
.L_overlay_start_0:
0x88: {  	s0 =	sld [smem:$0x3FD9]  }
0x89: {  	s1 =	sld [smem:$0x3FFE];
	_ =	sdelay $0x3  }
0x8a: {  	s0 =	sadd.s32 s1, s0  }
0x8b: {  	[smem:$0x3FC6] =	sst s0  }
0x8c: {  	_ = 	snop  }
0x8d: {  	s0 =	sld [smem:$0x3FD0];
	(tm) =	ssettm $0x1  }
0x8e: {  	s16 =	sld [smem:$0x3FFB];
	_ =	sdelay $0x3  }
0x8f: {  	_ =	strace s16  }
0x90: {  	s1 =	sld [smem:$0x3FFC];
	_ =	sdelay $0x3  }
0x91: {  	_ =	strace s1  }
0x92: {  	s1 =	sld [smem:$0x3FFD];
	_ =	sdelay $0x3  }
0x93: {  	_ =	strace s1  }
0x94: {  	_ =	strace $0x8FFFFFFF  }
0x95: {  	s17 =	sld [smem:$0x3FDB];
	_ =	sdelay $0x1  }
0x96: {  	s2 =	simm.s32 $_scs_section_size  }
0x97: {  	s3 =	simm.s32 $_size__tile_overlayer_lowered;
	s4 =	simm.s32 $_tile_overlayer_lowered  }
0x98: {  	s20 =	simm.s32 $0x1BFF;
	s19 =	sshll.u32 s4, $0x1;
	s1 =	sadd.s32 s2, s17  }
0x99: {  	s5 =	simm.s32 $0x0;
	s18 =	sshll.u32 s3, $0x1;
	s3 =	sadd.s32 s19, s1  }
0x9a: {  	[timem:s5], [sflag:s20] =	dma.local [hbm:s3], s18  }
0x9b: {  	_ =	swait.ge [sflag:s20], s18  }
0x9c: {  	s2 =	ssub.s32 $0x0, s18;
	[sflag:s20] =	ssyncset.done $0x0  }
0x9d: {  	[sflag:s20] =	ssyncadd.s32 s2;
	_ =	sdelay $0x1  }
0x9e: {  	s21 =	simm.s32 $0x1B8B  }
0x9f: {  	_ =	swait.ge [sflag:s21], $0x1  }
0xa0: {  	[sflag:s21] =	ssyncset.done $0x0  }
0xa1: {  	s23 =	simm.s32 $0x1B8E;
	s22 =	sld [smem:$0x3FFE];
	[sflag:s21] =	ssyncadd.s32 $0xFFFFFFFF  }
0xa2: {  	s24 =	simm.s32 $execute0_lowered;
	[smem:$0x3FD2] =	sst s23  }
0xa3: {  	s3 =	sshll.u32 s24, $0x1;
	_ =	strace $0x80000046;
	[dreg:$0x1] =	wrdreg $0xFFFFFFFF  }
0xa4: {  	s25 =	simm.s32 $_size_execute0_lowered;
	s1 =	sadd.s32 s1, s3;
	[dreg:$0x0] =	wrdreg $0x0  }
0xa5: {  	s3 =	sshll.u32 s25, $0x1;
	[dreg:$0x2] =	wrdreg s1  }
0xa6: {  	[dreg:$0x3] =	wrdreg s3  }
0xa7: {  	[dreg:$0x4] =	wrdreg $0xC0  }
0xa8: {  	_ =	task [dreg:s5], $0x5FFFF  }
0xa9: {  	[dreg:$0x1] =	wrdreg $0xFFFFFFFF  }
0xaa: {  	[dreg:$0x0] =	wrdreg $0x60  }
0xab: {  	[dreg:$0x2] =	wrdreg s22  }
0xac: {  	[dreg:$0x3] =	wrdreg s0  }
0xad: {  	[dreg:$0x4] =	wrdreg $0x21800  }
0xae: {  	[dreg:$0x5] =	wrdreg $0x9  }
0xaf: {  	_ =	task.clear_ibuf [dreg:s5], $0x6FFFF;
	_ =	strace $0x90000046  }
0xb0: {  	s26 =	simm.s32 $0x9;
	_ =	strace $0x80000048  }
0xb1: {  	_ =	swait.ge [sflag:s26], $0x1  }
0xb2: {  	[sflag:s26] =	ssyncadd.s32 $0xFFFFFFFF  }
0xb3: {  	_ =	strace $0x90000048  }
0xb4: {  	_ =	sfence  }
0xb5: {  	s28 =	sld [smem:$0x0];
	_ =	sdelay $0x1  }
0xb6: {  	s29 =	srdreg.scid  }
0xb7: {  	s30 =	sshll.u32 s29, $0xD;
	s31 =	sshrl.u32 s29, $0x2  }
0xb8: {  	s2 =	sand.u32 $0x4000, s30;
	s1 =	sand.u32 $0x1, s29;
	s0 =	sadd.s32 s31, s28  }
0xb9: {  	s1 =	sor.u32 s2, s1;
	s0 =	sshll.u32 s0, $0x11  }
0xba: {  	s0 =	sor.u32 s0, s1  }
0xbb: {  	s0 =	sadd.s32 $0x8F2B, s0  }
0xbc: {  	[sflag:s0] =	ssyncadd.remote.s32 $0x1  }
0xbd: {  	_ =	sfence.sel $0xFFFF  }
0xbe: {  	[dreg:$0x0] =	wrdreg $0xFFFFFFFF;
	(pc) =	sbr.abs _section_cstart, $3  }
0xbf: {  	[dreg:$0x1] =	wrdreg $0xFFFFFFFF  }
0xc0: {  	_ =	task.clear_ibuf [dreg:s5], $0x2FFFF;
	_ =	strace $0x9FFFFFFF  }
0xc1: {  	(tm) =	ssettm $0x7FFFFFFF  }
tec
execute0_lowered:
.L_overlay_start_1:
0x0: {  	(tag) =	ssettag $0x1  }
0x1: {  	s5 =	rddreg [dreg:$0x0]  }
0x2: {  	s1 =	rddreg [dreg:$0x1]  }
0x3: {  	s2 =	rddreg [dreg:$0x2];
	s3 =	stileid.u32  }
0x4: {  	s0 =	rddreg [dreg:$0x3];
	s4 =	simm.s32 $0x0;
	v2 =	vlaneseq.u32;
	s6 =	sshll.u32 s3, $0xA  }
0x5: {  	v0 =	vimm.f32 $0.0e+00;
	s31 =	simm.s32 $0x1;
	[smem:$0x7FF] =	sst s4;
	v3 =	vor.u32 $0x10, v2;
	s5 =	sadd.s32 s6, s5  }
.Ltmp0:
0x6: {  	v1 =	vimm.s32 $0x0;
	v4 =	vor.u32 $0x20, v2;
	v5 =	vor.u32 $0x30, v2;
	_ =	strace $0x80000047;
	s5 =	sadd.s32 $0xA00, s5;
	(pc) =	sbr.rel .LBB2_1-.Ltmp0, $4  }
0x7: {  	v6 =	vor.u32 $0x40, v2;
	v7 =	vor.u32 $0x50, v2;
	v8 =	vor.u32 $0x60, v2;
	[tilespmem:s4], [sflag:$0x1] =	stream.linear.gather [hbm4b:s5+s4], $0x2000, $0x38;
	[tilespmem:$0x2420] =	vst v63  }
0x8: {  	v9 =	vor.u32 $0x70, v2;
	v10 =	vor.u32 $0x80, v2;
	v11 =	vor.u32 $0x90, v2;
	_ =	swait.ge [sflag:s31], $0x2000  }
0x9: {  	s7 =	simm.s32 $0x0;
	v12 =	vor.u32 $0xA0, v2;
	v13 =	vor.u32 $0xB0, v2;
	v14 =	vor.u32 $0xC0, v2;
	[sflag:s31] =	ssyncset.done $0x0  }
0xa: {  	v15 =	vor.u32 $0xD0, v2;
	v16 =	vor.u32 $0xE0, v2;
	v17 =	vor.u32 $0xF0, v2;
	s6 =	simm.s32 $0x2000;
	s5 =	simm.f32 $0.0e+00;
	[sflag:s31] =	ssyncadd.s32 $0xFFFFE000  }
.LBB2_3:
0xb: {  	v40 =	vmov v0  }
.LBB2_9:
0xc: {  	_ =	sdelay $0x3  }
0xd: {  	v35 =	vld.idx.msk [tilespmem:v44+s4+$0x0], $0xffff;
	v41 =	vmax.f32 @p0 v41, $0.0e+00;
	v42 =	vadd.f32 @p1 v42, v45;
	v44 =	vmax.f32 @p0 v47, $0.0e+00  }
0xe: {  	v45 =	vsub.f32 @p0 v34, v21;
	v47 =	vmax.f32 @p0 v49, $0.0e+00;
	v49 =	vsub.f32 @p0 v34, v19  }
0xf: {  	v41 =	vadd.f32 @p0 v41, v48;
	v44 =	vadd.f32 @p0 v44, v46  }
0x10: {  	v39 =	vmax.f32 @p0 v39, $0.0e+00;
	v46 =	vsub.f32 @p0 v34, v18;
	v48 =	vsub.f32 @p0 v34, v22  }
0x11: {  	v34 =	vsub.f32 @p0 v34, v20;
	v42 =	vadd.f32 @p1 v50, v42;
	v45 =	vmax.f32 @p0 v45, $0.0e+00  }
0x12: {  	v46 =	vmax.f32 @p0 v46, $0.0e+00;
	v39 =	vadd.f32 @p0 v39, v45  }
0x13: {  	v45 =	vmax.f32 @p0 v49, $0.0e+00;
	v34 =	vmax.f32 @p0 v34, $0.0e+00;
	v40 =	vadd.f32 @p1 v42, v40  }
0x14: {  	v36 =	vadd.f32 @p0 v46, v36;
	v42 =	vmax.f32 @p0 v43, $0.0e+00;
	v38 =	vadd.f32 @p0 v45, v38  }
0x15: {  	v35 =	vadd.f32 $2.000000030e-01, v35;
	v39 =	vadd.f32 @p0 v39, v41;
	v41 =	vmax.f32 @p0 v48, $0.0e+00  }
0x16: {  	v42 =	vadd.f32 @p0 v42, v47;
	v34 =	vadd.f32 @p0 v41, v34  }
0x17: {  	v36 =	vadd.f32 @p0 v37, v36;
	v31 =	vsub.f32 v35, v31  }
0x18: {  	v29 =	vsub.f32 v35, v29;
	v28 =	vsub.f32 v35, v28  }
0x19: {  	v30 =	vsub.f32 v35, v30;
	v33 =	vsub.f32 v35, v33  }
0x1a: {  	v37 =	vadd.f32 @p0 v42, v38;
	v27 =	vsub.f32 v35, v27  }
0x1b: {  	v26 =	vsub.f32 v35, v26;
	v23 =	vsub.f32 v35, v23  }
0x1c: {  	v32 =	vsub.f32 v35, v32;
	v24 =	vsub.f32 v35, v24  }
0x1d: {  	v25 =	vsub.f32 v35, v25;
	v60 =	vsub.f32 v35, v21  }
0x1e: {  	v18 =	vsub.f32 v35, v18;
	v62 =	vsub.f32 v35, v22  }
0x1f: {  	v19 =	vsub.f32 v35, v19;
	v63 =	vsub.f32 v35, v20  }
0x20: {  	v34 =	vadd.f32 @p0 v44, v34;
	v31 =	vmax.f32 v31, $0.0e+00;
	v29 =	vmax.f32 v29, $0.0e+00  }
0x21: {  	v28 =	vmax.f32 v28, $0.0e+00;
	v33 =	vmax.f32 v33, $0.0e+00;
	v23 =	vmax.f32 v23, $0.0e+00  }
0x22: {  	v30 =	vmax.f32 v30, $0.0e+00;
	v32 =	vmax.f32 v32, $0.0e+00;
	v26 =	vmax.f32 v26, $0.0e+00  }
0x23: {  	v24 =	vmax.f32 v24, $0.0e+00;
	v21 =	vmax.f32 v60, $0.0e+00;
	v27 =	vmax.f32 v27, $0.0e+00  }
0x24: {  	v18 =	vmax.f32 v18, $0.0e+00;
	v19 =	vmax.f32 v19, $0.0e+00;
	v25 =	vmax.f32 v25, $0.0e+00  }
0x25: {  	v20 =	vmax.f32 v63, $0.0e+00;
	v28 =	vadd.f32 v28, v29;
	v29 =	vadd.f32 @p0 v34, v37  }
0x26: {  	v22 =	vmax.f32 v62, $0.0e+00;
	v23 =	vadd.f32 v30, v23;
	v61 =	vadd.f32 v32, v33  }
0x27: {  	v34 =	vpsel p0, v36, v0;
	v21 =	vadd.f32 v27, v21;
	v18 =	vadd.f32 v18, v31  }
0x28: {  	v36 =	vpsel p0, v39, v0;
	v19 =	vadd.f32 v19, v26;
	v24 =	vadd.f32 v25, v24  }
0x29: {  	v20 =	vadd.f32 v22, v20;
	v34 =	vadd.f32 @p0 v36, v34  }
0x2a: {  	v21 =	vadd.f32 v21, v23;
	v18 =	vadd.f32 v28, v18  }
0x2b: {  	v22 =	vpsel p0, v29, v0;
	v19 =	vadd.f32 v24, v19;
	v20 =	vadd.f32 v61, v20  }
0x2c: {  	v22 =	vadd.f32 @p0 v22, v34  }
0x2d: {  	v23 =	vpsel p1, v40, v0;
	v19 =	vadd.f32 v20, v19;
	v18 =	vadd.f32 v21, v18  }
0x2e: {  	v20 =	vadd.f32 @p0 v22, v23  }
0x2f: {  	v18 =	vadd.f32 v19, v18  }
0x30: {  	v0 =	vpsel p0, v20, v0  }
0x31: {  	v0 =	vadd.f32 v18, v0  }
.LBB2_10:
0x32: {  	s8 =	scvt.s32.f32 s8;
	s7 =	sadd.s32 $0x1, s7  }
0x33: {  	p0 =	sne.s32 s7, $0x10  }
.Ltmp1:
0x34: {  	s9 =	ssub.f32 $2.550000000e+02, s8;
	(pc) =	sbr.rel @!p0 .LBB2_11-.Ltmp1, $3  }
0x35: {  	_ = 	snop  }
0x36: {  	s8 =	smul.f32 s8, s9;
	_ =	sdelay $0x1  }
0x37: {  	s5 =	sadd.f32 s8, s5  }
.LBB2_1:
0x38: {  	s9 =	sshll.u32 s7, $0x7  }
0x39: {  	v26 =	vld [tilespmem:s9+$0x800]  }
0x3a: {  	v27 =	vld [tilespmem:s9+$0x810]  }
0x3b: {  	v28 =	vld [tilespmem:s9+$0x820]  }
0x3c: {  	v29 =	vld [tilespmem:s9+$0x830]  }
0x3d: {  	v30 =	vld [tilespmem:s9+$0x840]  }
0x3e: {  	s8 =	sand.u32 $0x3FFFFF80, s9;
	v31 =	vld [tilespmem:s9+$0x850]  }
0x3f: {  	v18 =	vld [tilespmem:s8+$0x0]  }
0x40: {  	v19 =	vld [tilespmem:s8+$0x10]  }
0x41: {  	v20 =	vld [tilespmem:s8+$0x20]  }
0x42: {  	v21 =	vld [tilespmem:s8+$0x30]  }
0x43: {  	v22 =	vld [tilespmem:s8+$0x40]  }
0x44: {  	v23 =	vld [tilespmem:s8+$0x50]  }
0x45: {  	v24 =	vld [tilespmem:s8+$0x60]  }
0x46: {  	v25 =	vld [tilespmem:s8+$0x70]  }
0x47: {  	vm7 =	vgt.f32 v26, $-5.000000080e+29;
	vm15 =	vgt.f32 v18, $-5.000000080e+29;
	v18 =	vld [tilespmem:s9+$0x860]  }
0x48: {  	vm6 =	vgt.f32 v27, $-5.000000080e+29;
	vm5 =	vgt.f32 v28, $-5.000000080e+29;
	vm14 =	vgt.f32 v19, $-5.000000080e+29;
	v19 =	vld [tilespmem:s9+$0x870]  }
0x49: {  	vm3 =	vgt.f32 v29, $-5.000000080e+29;
	vm4 =	vgt.f32 v30, $-5.000000080e+29;
	vm1 =	vgt.f32 v31, $-5.000000080e+29  }
0x4a: {  	vm13 =	vgt.f32 v20, $-5.000000080e+29;
	vm12 =	vgt.f32 v21, $-5.000000080e+29;
	vm11 =	vgt.f32 v22, $-5.000000080e+29  }
0x4b: {  	vm10 =	vgt.f32 v23, $-5.000000080e+29;
	vm9 =	vgt.f32 v24, $-5.000000080e+29;
	vm8 =	vgt.f32 v25, $-5.000000080e+29  }
0x4c: {  	v53 =	vmpcnt.ones.xlane vm14;
	vm0 =	vgt.f32 v18, $-5.000000080e+29;
	v18 =	vmpcnt.ones.xlane vm15  }
0x4d: {  	v54 =	vmpcnt.ones.xlane vm13;
	vm2 =	vgt.f32 v19, $-5.000000080e+29;
	v19 =	vsel vm15, $0x1, v1  }
0x4e: {  	v55 =	vmpcnt.ones.xlane vm12;
	(xrf0) =	vadd.scan.msk.s32 $0xffff, v19;
	v19 =	vsel vm14, $0x1, v1;
	v20 =	vadd.s32 v18, v53  }
0x4f: {  	v56 =	vmpcnt.ones.xlane vm11;
	(xrf0) =	vadd.scan.msk.s32 $0xffff, v19;
	v19 =	vsel vm13, $0x1, v1;
	v21 =	vadd.s32 v20, v54  }
0x50: {  	v57 =	vmpcnt.ones.xlane vm10;
	(xrf0) =	vadd.scan.msk.s32 $0xffff, v19;
	v19 =	vsel vm12, $0x1, v1;
	v22 =	vadd.s32 v21, v55  }
0x51: {  	v58 =	vmpcnt.ones.xlane vm9;
	(xrf0) =	vadd.scan.msk.s32 $0xffff, v19;
	v19 =	vsel vm11, $0x1, v1;
	v23 =	vadd.s32 v22, v56  }
0x52: {  	v59 =	vmpcnt.ones.xlane vm8;
	(xrf0) =	vadd.scan.msk.s32 $0xffff, v19;
	v19 =	vsel vm10, $0x1, v1;
	v24 =	vadd.s32 v23, v57  }
0x53: {  	v60 =	vmpcnt.ones.xlane vm7;
	(xrf0) =	vadd.scan.msk.s32 $0xffff, v19;
	v19 =	vsel vm9, $0x1, v1;
	v25 =	vadd.s32 v24, v58  }
0x54: {  	v62 =	vmpcnt.ones.xlane vm6;
	v61, _, _ =	vpop (xrf0);
	(xrf0) =	vadd.scan.msk.s32 $0xffff, v19;
	v19 =	vsel vm8, $0x1, v1;
	v26 =	vadd.s32 v25, v59  }
0x55: {  	v51 =	vmpcnt.ones.xlane vm5;
	v63, _, _ =	vpop (xrf0);
	(xrf0) =	vadd.scan.msk.s32 $0xffff, v19;
	v19 =	vsel vm7, $0x1, v1;
	v27 =	vadd.s32 v26, v60  }
0x56: {  	v33 =	vmpcnt.ones.xlane vm3;
	v32, _, _ =	vpop (xrf0);
	(xrf0) =	vadd.scan.msk.s32 $0xffff, v19;
	v19 =	vsel vm6, $0x1, v1;
	v29 =	vadd.s32 v27, v62  }
0x57: {  	v35 =	vmpcnt.ones.xlane vm4;
	v34, _, _ =	vpop (xrf0);
	(xrf0) =	vadd.scan.msk.s32 $0xffff, v19;
	v19 =	vsel vm5, $0x1, v1;
	v31 =	vadd.s32 v29, v51  }
0x58: {  	v37 =	vmpcnt.ones.xlane vm1;
	v36, _, _ =	vpop (xrf0);
	(xrf0) =	vadd.scan.msk.s32 $0xffff, v19;
	v19 =	vsel vm3, $0x1, v1;
	v33 =	vadd.s32 v31, v33  }
0x59: {  	v39 =	vmpcnt.ones.xlane vm0;
	v38, _, _ =	vpop (xrf0);
	(xrf0) =	vadd.scan.msk.s32 $0xffff, v19;
	v19 =	vsel vm4, $0x1, v1;
	v35 =	vadd.s32 v33, v35  }
0x5a: {  	v41 =	vmpcnt.ones.xlane vm2;
	v40, _, _ =	vpop (xrf0);
	(xrf0) =	vadd.scan.msk.s32 $0xffff, v19;
	v19 =	vsel vm1, $0x1, v1;
	v37 =	vadd.s32 v35, v37  }
0x5b: {  	v42, _, _ =	vpop (xrf0);
	(xrf0) =	vadd.scan.msk.s32 $0xffff, v19;
	v19 =	vsel vm0, $0x1, v1;
	v39 =	vadd.s32 v37, v39  }
0x5c: {  	v43, _, _ =	vpop (xrf0);
	(xrf0) =	vadd.scan.msk.s32 $0xffff, v19;
	v19 =	vsel vm2, $0x1, v1;
	v41 =	vadd.s32 v39, v41  }
0x5d: {  	v44, _, _ =	vpop (xrf0);
	(xrf0) =	vadd.scan.msk.s32 $0xffff, v19;
	v19 =	vxor.u32 $0x80000000, v41;
	_ =	sdelay $0x1  }
0x5e: {  	v52, _, _ =	vpop (xrf0);
	(xrf0) =	vmax.scan.msk.u32 $0xffff, v19  }
0x5f: {  	v19, _, _ =	vpop (xrf0)  }
0x60: {  	v45, _, _ =	vpop (xrf0)  }
0x61: {  	v46, _, _ =	vpop (xrf0)  }
0x62: {  	v47, _, _ =	vpop (xrf0)  }
0x63: {  	v48, _, _ =	vpop (xrf0)  }
0x64: {  	v53, _, _ =	vpop (xrf0)  }
0x65: {  	(v2sf) =	vpush v53, $0xF;
	_ =	sdelay $0x1  }
0x66: {  	v28 =	vadd.s32 $0xFFFFFFFF, v61;
	v18 =	vadd.s32 v18, v63  }
0x67: {  	v18 =	vadd.s32 $0xFFFFFFFF, v18;
	v20 =	vadd.s32 v20, v32  }
0x68: {  	v21 =	vadd.s32 v21, v34;
	v20 =	vadd.s32 $0xFFFFFFFF, v20  }
0x69: {  	v22 =	vadd.s32 v22, v36;
	v21 =	vadd.s32 $0xFFFFFFFF, v21  }
0x6a: {  	v23 =	vadd.s32 v23, v38;
	v22 =	vadd.s32 $0xFFFFFFFF, v22  }
0x6b: {  	[tilespmem:v28+s6+$0x0] =	vst.idx.msk vm15, v2;
	v24 =	vadd.s32 v24, v40;
	v23 =	vadd.s32 $0xFFFFFFFF, v23  }
0x6c: {  	[tilespmem:v18+s6+$0x0] =	vst.idx.msk vm14, v3;
	v18 =	vadd.s32 v25, v42;
	v24 =	vadd.s32 $0xFFFFFFFF, v24  }
0x6d: {  	[tilespmem:v20+s6+$0x0] =	vst.idx.msk vm13, v4;
	v54 =	vadd.s32 v26, v43;
	v18 =	vadd.s32 $0xFFFFFFFF, v18  }
0x6e: {  	[tilespmem:v21+s6+$0x0] =	vst.idx.msk vm12, v5;
	v55 =	vadd.s32 v27, v44;
	v20 =	vadd.s32 $0xFFFFFFFF, v54  }
0x6f: {  	[tilespmem:v22+s6+$0x0] =	vst.idx.msk vm11, v6;
	v56 =	vadd.s32 v29, v52;
	v21 =	vadd.s32 $0xFFFFFFFF, v55  }
0x70: {  	[tilespmem:v23+s6+$0x0] =	vst.idx.msk vm10, v7;
	v22 =	vadd.s32 $0xFFFFFFFF, v56;
	v19 =	vadd.s32 v31, v19  }
0x71: {  	[tilespmem:v24+s6+$0x0] =	vst.idx.msk vm9, v8;
	v19 =	vadd.s32 $0xFFFFFFFF, v19;
	v57 =	vadd.s32 v33, v45  }
0x72: {  	[tilespmem:v18+s6+$0x0] =	vst.idx.msk vm8, v9;
	v18 =	vadd.s32 $0xFFFFFFFF, v57;
	v58 =	vadd.s32 v35, v46  }
0x73: {  	[tilespmem:v20+s6+$0x0] =	vst.idx.msk vm7, v10;
	v59 =	vadd.s32 $0xFFFFFFFF, v58;
	v60 =	vadd.s32 v37, v47;
	s31 =	spop (v2sf)  }
0x74: {  	[tilespmem:v21+s6+$0x0] =	vst.idx.msk vm6, v11;
	v61 =	vadd.s32 $0xFFFFFFFF, v60;
	v62 =	vadd.s32 v39, v48;
	s8 =	sxor.u32 $0x80000000, s31  }
0x75: {  	[tilespmem:v22+s6+$0x0] =	vst.idx.msk vm5, v12;
	v63 =	vadd.s32 $0xFFFFFFFF, v62;
	p0 =	slt.s32 s8, $0x1  }
.Ltmp2:
0x76: {  	[tilespmem:v19+s6+$0x0] =	vst.idx.msk vm3, v13;
	(pc) =	sbr.rel @p0 .LBB2_10-.Ltmp2, $4  }
0x77: {  	[tilespmem:v18+s6+$0x0] =	vst.idx.msk vm4, v14  }
0x78: {  	[tilespmem:v59+s6+$0x0] =	vst.idx.msk vm1, v15  }
0x79: {  	[tilespmem:v61+s6+$0x0] =	vst.idx.msk vm0, v16  }
0x7a: {  	[tilespmem:v63+s6+$0x0] =	vst.idx.msk vm2, v17  }
0x7b: {  	v31 =	vld [tilespmem:s9+$0x1000]  }
0x7c: {  	v18 =	vld [tilespmem:s9+$0x1010]  }
0x7d: {  	v29 =	vld [tilespmem:s9+$0x1020]  }
0x7e: {  	s10 =	simm.s32 $0x0;
	v28 =	vld [tilespmem:s9+$0x1030]  }
0x7f: {  	v23 =	vld [tilespmem:s9+$0x1040];
	v19 =	vmov s10  }
0x80: {  	v30 =	vld [tilespmem:s9+$0x1050]  }
0x81: {  	v21 =	vld [tilespmem:s9+$0x1060]  }
0x82: {  	v27 =	vld [tilespmem:s9+$0x1070]  }
0x83: {  	v26 =	vld [tilespmem:s9+$0x1800]  }
0x84: {  	v32 =	vld.idx.msk [tilespmem:v19+s6+$0x0], $0xffff  }
0x85: {  	v24 =	vld [tilespmem:s9+$0x1820]  }
0x86: {  	v25 =	vld [tilespmem:s9+$0x1830];
	p2 =	sne.s32 s8, $0x1  }
.Ltmp3:
0x87: {  	v20 =	vld [tilespmem:s9+$0x1840];
	(pc) =	sbr.rel @!p2 .LBB2_3-.Ltmp3, $4  }
0x88: {  	v22 =	vld [tilespmem:s9+$0x1850]  }
0x89: {  	v35 =	vmov s9;
	v33 =	vld [tilespmem:s9+$0x1860];
	v34 =	vshll.u32 v32, $0x4;
	v32 =	vand.u32 $0x7F, v32  }
0x8a: {  	v19 =	vld [tilespmem:s9+$0x1810];
	v34 =	vand.u32 $0xFFFFF800, v34;
	v36 =	vor.u32 v35, v32  }
0x8b: {  	p0 =	por $0x0, $0x0;
	p1 =	por $0x0, $0x0;
	v32 =	vld [tilespmem:s9+$0x1870];
	s9 =	simm.s32 $0x1;
	v44 =	vor.u32 v34, v36  }
0x8c: {  	_ =	sdelay $0x3  }
0x8d: {  	v34 =	vld.idx.msk [tilespmem:v44+s4+$0x0], $0xffff;
	_ =	sdelay $0x2  }
0x8e: {  	v36 =	vmov s9;
	_ =	sdelay $0x1  }
0x8f: {  	v34 =	vadd.f32 $2.000000030e-01, v34;
	_ =	sdelay $0x1  }
0x90: {  	v61 =	vsub.f32 v34, v31;
	v38 =	vsub.f32 v34, v29  }
0x91: {  	v37 =	vld.idx.msk [tilespmem:v36+s6+$0x0], $0xffff;
	v40 =	vsub.f32 v34, v28;
	v41 =	vsub.f32 v34, v30  }
0x92: {  	v43 =	vsub.f32 v34, v33;
	v39 =	vsub.f32 v34, v27  }
0x93: {  	p2 =	sne.s32 s8, $0x2;
	v63 =	vsub.f32 v34, v26;
	v45 =	vsub.f32 v34, v23  }
.Ltmp4:
0x94: {  	v47 =	vsub.f32 v34, v32;
	v49 =	vsub.f32 v34, v24;
	v36 =	vmax.f32 v61, $0.0e+00;
	(pc) =	sbr.rel @!p2 .LBB2_5-.Ltmp4, $4  }
0x95: {  	v42 =	vmax.f32 v38, $0.0e+00;
	v40 =	vmax.f32 v40, $0.0e+00;
	v46 =	vmax.f32 v43, $0.0e+00  }
0x96: {  	v48 =	vmax.f32 v45, $0.0e+00;
	v62 =	vshll.u32 v37, $0x4;
	v37 =	vand.u32 $0x7F, v37  }
0x97: {  	v43 =	vsub.f32 v34, v25;
	v38 =	vand.u32 $0xFFFFF800, v62;
	v37 =	vor.u32 v35, v37  }
0x98: {  	s9 =	simm.s32 $0x2;
	p0 =	por $0x1, $0x1;
	v44 =	vor.u32 v38, v37;
	v38 =	vmax.f32 v63, $0.0e+00;
	v37 =	vadd.f32 v40, v42  }
0x99: {  	_ = 	snop  }
0x9a: {  	v41 =	vmax.f32 v41, $0.0e+00  }
0x9b: {  	v42 =	vmax.f32 v47, $0.0e+00;
	v56 =	vmov s9;
	v45 =	vsub.f32 v34, v21  }
0x9c: {  	v57 =	vmax.f32 v49, $0.0e+00;
	v58 =	vsub.f32 v34, v18;
	v59 =	vsub.f32 v34, v22  }
0x9d: {  	v40 =	vld.idx.msk [tilespmem:v44+s4+$0x0], $0xffff;
	v39 =	vmax.f32 v39, $0.0e+00;
	v60 =	vsub.f32 v34, v19;
	v50 =	vsub.f32 v34, v20  }
0x9e: {  	v43 =	vmax.f32 v43, $0.0e+00;
	v41 =	vadd.f32 v41, v48;
	v46 =	vadd.f32 v42, v46  }
0x9f: {  	v43 =	vadd.f32 v43, v57;
	v45 =	vmax.f32 v45, $0.0e+00;
	v42 =	vmax.f32 v58, $0.0e+00  }
0xa0: {  	v62 =	vmax.f32 v60, $0.0e+00;
	v53 =	vmax.f32 v50, $0.0e+00;
	v39 =	vadd.f32 v39, v45  }
0xa1: {  	v55 =	vmax.f32 v59, $0.0e+00;
	v63 =	vadd.f32 v42, v36;
	v38 =	vadd.f32 v62, v38  }
0xa2: {  	v48 =	vadd.f32 v55, v53;
	v34 =	vadd.f32 $2.000000030e-01, v40;
	v61 =	vld.idx.msk [tilespmem:v56+s6+$0x0], $0xffff  }
0xa3: {  	v42 =	vadd.f32 v39, v41;
	v45 =	vadd.f32 v37, v63  }
0xa4: {  	v43 =	vadd.f32 v43, v38;
	v48 =	vadd.f32 v46, v48  }
0xa5: {  	v52 =	vsub.f32 v34, v31;
	v54 =	vsub.f32 v34, v29  }
0xa6: {  	v56 =	vsub.f32 v34, v28;
	v41 =	vsub.f32 v34, v30  }
0xa7: {  	v60 =	vsub.f32 v34, v33;
	v58 =	vshll.u32 v61, $0x4;
	v59 =	vand.u32 $0x7F, v61  }
0xa8: {  	p2 =	sne.s32 s8, $0x3;
	v39 =	vsub.f32 v34, v27;
	v37 =	vand.u32 $0xFFFFF800, v58;
	v61 =	vor.u32 v35, v59  }
.Ltmp5:
0xa9: {  	v62 =	vsub.f32 v34, v26;
	v51 =	vsub.f32 v34, v23;
	v44 =	vor.u32 v37, v61;
	(pc) =	sbr.rel @!p2 .LBB2_7-.Ltmp5, $4  }
0xaa: {  	v47 =	vsub.f32 v34, v32;
	v50 =	vadd.f32 v48, v43  }
0xab: {  	v49 =	vsub.f32 v34, v24;
	v43 =	vsub.f32 v34, v25;
	v36 =	vmax.f32 v52, $0.0e+00  }
0xac: {  	v57 =	vmax.f32 v54, $0.0e+00;
	v63 =	vmax.f32 v56, $0.0e+00;
	v46 =	vmax.f32 v60, $0.0e+00  }
0xad: {  	s9 =	simm.s32 $0x3;
	p1 =	por $0x1, $0x1;
	v40 =	vmovc v0;
	v38 =	vmax.f32 v62, $0.0e+00;
	v48 =	vmax.f32 v51, $0.0e+00;
	v37 =	vadd.f32 v63, v57  }
.LBB2_8:
0xae: {  	v44 =	vld.idx.msk [tilespmem:v44+s4+$0x0], $0xffff;
	v41 =	vmax.f32 v41, $0.0e+00;
	v47 =	vmax.f32 v47, $0.0e+00;
	v42 =	vadd.f32 v42, v45;
	s10 =	smov.u32 s9;
	s9 =	sadd.s32 $0x1, s9  }
0xaf: {  	v51 =	vsub.f32 v34, v21;
	v45 =	vmov s10;
	p2 =	sne.s32 s8, s9;
	v41 =	vadd.f32 v41, v48  }
0xb0: {  	v48 =	vmax.f32 v49, $0.0e+00;
	v46 =	vadd.f32 v47, v46;
	v42 =	vadd.f32 v50, v42  }
0xb1: {  	v47 =	vsub.f32 v34, v18;
	v49 =	vsub.f32 v34, v22  }
0xb2: {  	v39 =	vmax.f32 v39, $0.0e+00;
	v50 =	vmax.f32 v51, $0.0e+00;
	v51 =	vsub.f32 v34, v19  }
0xb3: {  	v52 =	vsub.f32 v34, v20;
	v47 =	vmax.f32 v47, $0.0e+00;
	v39 =	vadd.f32 v39, v50  }
0xb4: {  	v40 =	vadd.f32 v42, v40;
	v34 =	vadd.f32 $2.000000030e-01, v44;
	v44 =	vmax.f32 v51, $0.0e+00;
	v50 =	vld.idx.msk [tilespmem:v45+s6+$0x0], $0xffff  }
0xb5: {  	v43 =	vmax.f32 v43, $0.0e+00;
	v42 =	vadd.f32 v39, v41;
	v45 =	vadd.f32 v47, v36  }
0xb6: {  	v39 =	vmax.f32 v52, $0.0e+00;
	v38 =	vadd.f32 v44, v38;
	v36 =	vsub.f32 v34, v31  }
0xb7: {  	v43 =	vadd.f32 v43, v48;
	v44 =	vmax.f32 v49, $0.0e+00;
	v41 =	vsub.f32 v34, v29  }
0xb8: {  	v47 =	vsub.f32 v34, v28;
	v48 =	vadd.f32 v44, v39;
	v36 =	vmax.f32 v36, $0.0e+00  }
0xb9: {  	v45 =	vadd.f32 v37, v45;
	v49 =	vmax.f32 v41, $0.0e+00;
	v41 =	vsub.f32 v34, v30  }
0xba: {  	v37 =	vshll.u32 v50, $0x4;
	v39 =	vand.u32 $0x7F, v50;
	v50 =	vsub.f32 v34, v33  }
0xbb: {  	v43 =	vadd.f32 v43, v38;
	v37 =	vand.u32 $0xFFFFF800, v37;
	v39 =	vor.u32 v35, v39  }
.Ltmp6:
0xbc: {  	v44 =	vor.u32 v37, v39;
	v39 =	vsub.f32 v34, v27;
	v37 =	vsub.f32 v34, v26;
	(pc) =	sbr.rel @p2 .LBB2_8-.Ltmp6, $4  }
0xbd: {  	v51 =	vsub.f32 v34, v23;
	v48 =	vadd.f32 v46, v48  }
0xbe: {  	v52 =	vmax.f32 v47, $0.0e+00;
	v47 =	vsub.f32 v34, v32;
	v46 =	vmax.f32 v50, $0.0e+00  }
0xbf: {  	v50 =	vadd.f32 v48, v43;
	v38 =	vmax.f32 v37, $0.0e+00;
	v37 =	vadd.f32 v52, v49  }
0xc0: {  	v48 =	vmax.f32 v51, $0.0e+00;
	v43 =	vsub.f32 v34, v25;
	v49 =	vsub.f32 v34, v24  }
.Ltmp7:
0xc1: {  	_ = 	snop;
	(pc) =	sbr.rel .LBB2_9-.Ltmp7, $1  }
0xc2: {  	_ =	sdelay $0x3  }
.LBB2_5:
.Ltmp8:
0xc3: {  	(pc) =	sbr.rel .LBB2_9-.Ltmp8, $2  }
0xc4: {  	_ =	sdelay $0x2  }
0xc5: {  	v40 =	vmov v0  }
.LBB2_7:
.Ltmp9:
0xc6: {  	(pc) =	sbr.rel .LBB2_9-.Ltmp9, $2  }
0xc7: {  	_ =	sdelay $0x2  }
0xc8: {  	v40 =	vmov v0  }
.LBB2_11:
0xc9: {  	_ = 	snop  }
0xca: {  	s4 =	sshll.u32 s3, $0x5;
	[tilespmem:$0x2100] =	vst v0;
	v63 =	vmov s5  }
0xcb: {  	s31 =	simm.s32 $0x2100;
	s4 =	sadd.s32 s4, s2;
	[tilespmem:$0x2110] =	vst v63  }
0xcc: {  	[spmem:s4] =	stream.linear.scatter [tilespmem:s31], [sflag:$0x2], $0x20, $0x38;
	[tilespmem:$0x2420] =	vst v63  }
0xcd: {  	s4 =	simm.s32 $0x2  }
0xce: {  	_ =	swait.ge [sflag:s4], $0x20  }
0xcf: {  	[sflag:s4] =	ssyncset.done $0x0  }
0xd0: {  	[sflag:s4] =	ssyncadd.s32 $0xFFFFFFE0  }
0xd1: {  	p0 =	sne.s32 s3, $0x0;
	[bflag:$0x0] =	sbarrier.arrive $0xFFFF  }
0xd2: {  	_ =	sfence.sel @p0 $0x180000  }
0xd3: {  	[bflag:$0x0] =	sbarrier.arrive @p0 $0xFFFF  }
0xd4: {  	_ =	strace @p0 $0x90000047  }
0xd5: {  	[bflag:$0x2] =	sbarrier.arrive @p0 $0xFFFF  }
0xd6: {  	_ =	shalt @p0  }
.LBB2_12:
0xd7: {  	s3 =	simm.s32 $0x21A0  }
0xd8: {  	[tilespmem:s3], [sflag:$0x2] =	stream.linear.gather [spmem:s2], $0x200, $0x38;
	[tilespmem:$0x2420] =	vst v63  }
0xd9: {  	_ =	swait.ge [sflag:s4], $0x200  }
0xda: {  	[sflag:s4] =	ssyncset.done $0x0  }
0xdb: {  	[sflag:s4] =	ssyncadd.s32 $0xFFFFFE00  }
0xdc: {  	v0 =	vld [tilespmem:$0x21A0]  }
0xdd: {  	v1 =	vld [tilespmem:$0x21C0]  }
0xde: {  	v2 =	vld [tilespmem:$0x21E0]  }
0xdf: {  	v3 =	vld [tilespmem:$0x2200]  }
0xe0: {  	v4 =	vld [tilespmem:$0x2220]  }
0xe1: {  	v5 =	vld [tilespmem:$0x2240]  }
0xe2: {  	v6 =	vld [tilespmem:$0x2260]  }
0xe3: {  	v7 =	vld [tilespmem:$0x2280]  }
0xe4: {  	v8 =	vld [tilespmem:$0x22A0]  }
0xe5: {  	v9 =	vld [tilespmem:$0x21B0]  }
0xe6: {  	v10 =	vld [tilespmem:$0x21D0]  }
0xe7: {  	v11 =	vld [tilespmem:$0x21F0]  }
0xe8: {  	v12 =	vld [tilespmem:$0x2210]  }
0xe9: {  	v13 =	vld [tilespmem:$0x2230]  }
0xea: {  	v14 =	vld [tilespmem:$0x2250]  }
0xeb: {  	v15 =	vld [tilespmem:$0x2270]  }
0xec: {  	v16 =	vld [tilespmem:$0x2290]  }
0xed: {  	v17 =	vld [tilespmem:$0x22B0]  }
0xee: {  	v18 =	vld [tilespmem:$0x22D0]  }
0xef: {  	v19 =	vld [tilespmem:$0x22F0]  }
0xf0: {  	v20 =	vld [tilespmem:$0x2310]  }
0xf1: {  	v21 =	vld [tilespmem:$0x2330]  }
0xf2: {  	v22 =	vld [tilespmem:$0x2350]  }
0xf3: {  	v23 =	vld [tilespmem:$0x2370]  }
0xf4: {  	v24 =	vld [tilespmem:$0x2390]  }
0xf5: {  	v25 =	vld [tilespmem:$0x22C0];
	v0 =	vadd.f32 v1, v0  }
0xf6: {  	v36 =	vld [tilespmem:$0x22E0];
	v9 =	vadd.f32 v10, v9;
	v37 =	vadd.f32 v12, v11  }
0xf7: {  	v38 =	vld [tilespmem:$0x2300];
	v39 =	vadd.f32 v14, v13;
	v40 =	vadd.f32 v16, v15  }
0xf8: {  	v41 =	vld [tilespmem:$0x2320];
	v42 =	vadd.f32 v18, v17;
	v43 =	vadd.f32 v20, v19  }
0xf9: {  	v44 =	vld [tilespmem:$0x2340];
	v45 =	vadd.f32 v22, v21;
	v46 =	vadd.f32 v24, v23  }
0xfa: {  	v47 =	vld [tilespmem:$0x2360];
	v9 =	vadd.f32 v37, v9;
	v48 =	vadd.f32 v40, v39  }
0xfb: {  	v49 =	vld [tilespmem:$0x2380];
	v50 =	vadd.f32 v43, v42;
	v51 =	vadd.f32 v46, v45  }
0xfc: {  	v2 =	vadd.f32 v3, v2;
	v52 =	vadd.f32 v5, v4  }
0xfd: {  	v53 =	vadd.f32 v48, v9;
	v54 =	vadd.f32 v51, v50  }
0xfe: {  	v6 =	vadd.f32 v7, v6;
	v55 =	vadd.f32 v25, v8  }
0xff: {  	v1 =	vadd.f32 v38, v36;
	v4 =	vadd.f32 v54, v53  }
0x100: {  	v56 =	vadd.f32 v44, v41;
	v57 =	vadd.f32 v49, v47  }
0x101: {  	v0 =	vadd.f32 v2, v0;
	v58 =	vadd.f32 v6, v52;
	(xrf0) =	vmax.scan.msk.f32 $0xffff, v4  }
0x102: {  	v1 =	vadd.f32 v1, v55;
	v59 =	vadd.f32 v57, v56;
	_ =	sdelay $0x1  }
0x103: {  	v0 =	vadd.f32 v58, v0;
	v1 =	vadd.f32 v59, v1;
	_ =	sdelay $0x1  }
0x104: {  	v0 =	vadd.f32 v1, v0  }
0x105: {  	v60, _, _ =	vpop (xrf0)  }
0x106: {  	(xrf2) =	vadd.scan.msk.f32 $0xffff, v0;
	v61 =	vmax.f32 v60, $1.000000000e+00  }
0x107: {  	v0 =	vbroadcast v61, $0xF;
	_ =	sdelay $0x1  }
0x108: {  	(erf) = vrcp.f32 v0;
	_ =	sdelay $0x6  }
0x109: {  	v62, _, _ =	vpop (xrf2)  }
0x10a: {  	v0 =	vbroadcast v62, $0xF  }
0x10b: {  	v63 =	vpop (erf)  }
0x10c: {  	v0 =	vmul.f32 v63, v0  }
0x10d: {  	vm0 =	vmmov $0x1  }
0x10e: {  	v0 =	vnsel vm0, $0x0, v0  }
0x10f: {  	s30 =	simm.s32 $0x0;
	s31 =	simm.s32 $0x23A0;
	[tilespmem:$0x23A0] =	vst v0  }
0x110: {  	[hbm4b:s1+s30] =	stream.linear.scatter [tilespmem:s31], [sflag:$0x2], $0x1, $0x38;
	[tilespmem:$0x2420] =	vst v63  }
0x111: {  	_ =	swait.ge [sflag:s4], $0x1  }
0x112: {  	[sflag:s4] =	ssyncset.done $0x0  }
0x113: {  	[sflag:s4] =	ssyncadd.s32 $0xFFFFFFFF  }
0x114: {  	_ =	sfence.sel $0x180000  }
0x115: {  	[bflag:$0x0] =	sbarrier.arrive $0xFFFF  }
0x116: {  	_ =	strace $0x90000047  }
0x117: {  	s0 =	sadd.s32 $0x100000, s0;
	[bflag:$0x2] =	sbarrier.arrive $0xFFFF  }
0x118: {  	[sflag:s0] =	ssyncadd.tile.s32 $0x1;
	_ =	shalt  }
.Lfunc_end2:
_tile_overlayer_lowered:
.L_overlay_start_2:
0x119: {  	(tag) =	ssettag $0x2  }
0x11a: {  	s0 =	rddreg [dreg:$0x0];
	s2 =	stileid.u32  }
0x11b: {  	s1 =	rddreg [dreg:$0x1];
	p0 =	sne.s32 s2, $0x0  }
0x11c: {  	s3 =	rddreg [dreg:$0x2];
	[bflag:$0x3] =	sbarrier.arrive $0xFFFF;
	s2 =	simm.s32 @!p0 $0x1C02  }
0x11d: {  	[timem:s3], [sflag:s2] =	dma.local @!p0 [hbm:s0], s1  }
0x11e: {  	s0 =	simm.s32 @!p0 $0x2  }
0x11f: {  	_ =	swait.ge @!p0 [sflag:s0], s1  }
0x120: {  	s1 =	ssub.s32 @!p0 $0x0, s1;
	[sflag:s0] =	ssyncset.done @!p0 $0x0  }
0x121: {  	[sflag:s0] =	ssyncadd.s32 @!p0 s1  }
0x122: {  	[bflag:$0x3] =	sbarrier.arrive $0xFFFF  }
0x123: {  	_ =	shalt  }

</sc_bundles>
